<compile_context>
chip_gen: v7x
topology: tpu7x:2x2x1
jax: 0.10.2.dev20260603
libtpu: 0.0.44.dev20260713+nightly
codegen_flags: <defaults>
</compile_context>

<pallas_src>
import functools

import numpy as np
import jax
import jax.numpy as jnp
from jax import lax
from jax.experimental import pallas as pl
from jax.experimental.pallas import tpu as pltpu
from jax.experimental.pallas import tpu_sc as plsc

_DIM = 384
_HEADS = 8
_DH = 64
_INNER = 512
_TOPK = 512
_NQ = 1024
_NKV = 4096
_DHP = 128
_HIGH = jax.lax.Precision.HIGHEST


_SAMPLE_IDX = np.array([
    [6,8,11,13,17,18,20,23,25,26,28,34,37,41,45,46,48,51,56,58,60,62,66,67,69,70,71,74,80,83,84,87,91,92,93,95,97,99,101,108,112,114,120,125,127,128,131,134,135,136,143,145,146,147,149,153,154,164,168,171,172,173,183,184,185,186,192,193,196,198,199,201,206,207,209,212,219,223,224,225,226,228,232,235,238,239,240,247,248,249,250,252,254,258,261,264,266,267,268,269,276,277,278,279,284,285,288,291,293,295,297,299,300,302,303,304,308,309,311,316,318,321,324,325,332,334,335,337,338,342,345,348,352,353,354,356,357,361,363,365,370,371,372,377,381,383,385,386,388,389,395,397,402,406,408,409,410,411,414,415,420,422,424,428,431,433,436,437,438,439,440,441,446,448,451,453,456,459,460,463,465,467,469,472,474,475,479,484,487,489,492,495,496,497,500,501,502,503,505,508,518,519,523,525,527,528,529,530,535,539,543,544,545,546,548,549,552,556,561,562,564,566,567,568,571,574,576,578,579,580,587,588,591,592,593,595,596,598,601,604,606,608,609,611,612,617,619,620,625,626,629,634,641,643,647,648,650,651,653,654,660,661,663,665,667,674,676,682,683,684,686,691,692,694,695,696,698,700,706,707,714,716,720,729,730,731,733,735,737,740,742,749,750,756,758,759,760,762,764,767,771,772,774,775,776,779,784,786,788,789,790,792,793,795,798,799,800,802,803,804,807,808,812,814,815,816,817,819,820,823,824,827,828,830,832,833,834,835,837,839,840,842,845,849,856,857,859,860,861,862,865,869,871,874,878,889,891,892,894,895,898,902,904,906,913,922,924,928,930,933,938,944,946,948,953,955,961,967,969,971,972,974,976,978,980,985,986,993,999,1000,1003,1005,1008,1010,1011,1013,1015,1016,1018,1019,1021,1022,1023,6,6,6,6,6,6,6,6,6,6,6,6,6],
    [2,5,11,12,14,37,40,41,42,44,46,48,49,53,55,56,59,64,65,68,70,75,77,81,82,86,91,96,97,98,101,104,107,111,114,117,124,125,128,129,130,135,136,138,140,147,150,152,153,154,156,160,161,163,164,167,169,172,175,183,184,186,187,188,189,191,196,197,201,206,208,210,212,213,214,216,218,220,221,223,227,229,230,236,237,240,246,248,249,251,254,256,258,260,264,266,267,270,272,277,278,279,280,281,286,287,290,294,296,298,299,302,304,307,309,317,318,320,325,326,328,330,331,332,335,336,338,339,340,343,345,347,348,355,357,358,364,365,366,367,369,370,371,374,376,378,381,383,387,389,391,399,400,405,407,408,412,414,415,419,421,426,429,430,431,433,436,437,444,445,449,450,453,454,457,458,459,462,463,468,469,475,476,477,478,480,481,485,487,490,491,494,496,498,501,507,510,511,512,515,520,525,528,530,533,534,541,543,544,547,548,554,556,557,558,559,561,568,569,570,574,583,586,592,593,597,599,601,605,606,609,610,611,613,618,620,623,624,625,633,635,637,638,640,641,642,643,645,649,653,654,657,660,661,663,664,669,671,673,674,679,689,698,700,703,704,709,710,711,712,714,718,719,721,722,723,726,727,729,730,732,733,738,740,741,742,745,746,750,754,756,757,758,762,768,770,773,774,775,778,781,784,785,787,789,791,792,793,794,799,802,804,810,813,814,823,824,825,828,831,838,842,843,844,847,849,850,853,858,859,860,862,863,864,865,873,874,875,876,880,883,885,886,887,891,892,894,895,897,899,903,905,907,910,915,923,926,930,934,937,938,940,943,947,949,959,960,962,963,965,966,968,972,974,984,987,988,989,990,991,1001,1003,1005,1006,1008,1010,1011,1012,1016,1017,1018,1019,2,2,2,2,2,2,2,2,2,2,2,2,2,2,2,2,2,2,2,2,2,2,2,2],
    [2,4,6,8,9,10,15,18,21,23,24,25,26,32,34,37,39,43,44,46,47,48,50,58,59,61,63,64,67,71,72,77,82,84,85,89,93,94,95,97,98,101,103,106,112,113,120,122,124,127,129,131,132,133,134,135,137,138,151,155,156,159,162,163,165,166,171,172,173,178,182,186,188,189,197,198,203,206,208,211,215,217,220,221,224,226,229,233,237,245,250,254,259,260,264,265,267,268,270,271,272,274,276,279,280,281,284,290,293,294,296,297,299,302,304,305,308,312,317,322,324,325,326,327,330,333,336,340,342,345,346,347,349,352,353,356,357,358,360,367,368,369,372,378,379,382,383,385,386,387,390,392,394,395,396,397,398,399,402,403,404,405,407,408,410,411,412,414,417,418,419,421,422,428,429,434,435,437,438,444,452,455,457,458,461,462,465,469,470,471,475,479,480,481,483,486,487,488,492,498,501,503,505,511,520,521,524,527,541,542,544,548,550,551,555,556,557,560,564,567,569,573,575,579,580,581,584,585,587,589,590,591,593,595,596,597,599,607,613,617,621,623,624,625,626,631,638,639,640,642,646,647,649,650,652,656,657,660,661,667,669,670,671,673,680,681,683,684,686,690,691,692,693,694,695,696,697,701,707,708,709,710,713,714,715,717,719,720,721,722,729,731,734,735,736,743,744,750,751,754,757,759,760,762,763,764,765,766,768,774,775,777,782,785,786,787,788,789,792,794,796,797,799,802,803,811,812,813,815,818,820,821,823,824,825,826,828,829,831,833,836,837,838,839,840,841,845,846,848,850,852,853,854,856,859,860,864,867,869,870,874,877,878,879,882,883,884,890,891,892,893,903,905,908,911,914,919,920,925,926,927,928,930,931,936,938,939,940,946,948,949,950,953,956,959,962,964,969,970,973,974,985,988,990,993,994,996,997,999,1002,1004,1007,1010,1016,2,2],
    [0,2,4,10,13,17,18,19,20,28,30,33,34,37,38,42,43,44,45,48,51,53,55,56,57,61,62,64,65,68,79,81,82,83,87,92,98,99,103,104,106,111,112,114,117,124,126,127,133,134,135,141,142,144,148,149,151,155,156,157,158,161,162,163,166,167,171,173,178,179,184,186,188,189,190,191,199,206,209,210,213,217,221,224,225,226,229,230,233,235,236,237,238,240,245,249,252,256,261,262,263,264,265,267,270,273,274,278,280,281,282,285,288,289,291,293,297,299,301,302,303,308,310,311,313,314,321,322,326,327,329,330,335,336,344,347,349,352,358,363,367,369,380,383,386,387,389,397,402,404,406,407,408,410,411,413,414,415,423,424,427,429,430,436,440,443,444,446,447,451,453,456,459,463,465,469,473,474,475,476,480,481,482,483,485,486,488,489,491,495,497,498,500,501,503,505,506,507,508,509,510,519,522,523,526,527,529,530,531,532,533,534,536,537,538,541,543,544,546,552,553,554,557,559,560,561,563,566,569,571,572,575,576,583,586,587,588,592,593,595,596,598,601,602,603,604,606,610,611,613,614,617,621,622,623,624,627,628,637,639,642,643,645,648,652,656,662,663,671,674,675,680,689,691,694,695,699,700,701,703,705,707,710,712,713,716,718,719,721,722,723,726,728,732,733,734,735,744,745,746,749,751,753,760,767,768,770,772,775,780,783,785,786,789,799,800,801,804,806,814,818,822,823,827,828,830,832,837,838,839,841,842,843,849,856,859,861,862,863,865,870,876,880,888,889,891,895,896,897,899,900,906,907,908,910,911,912,915,916,918,919,921,922,929,930,933,934,936,938,939,941,943,944,946,950,952,955,958,960,963,964,966,969,971,973,974,975,976,977,978,979,980,981,985,986,988,990,994,998,999,1000,1001,1002,1008,1010,1014,1015,1017,1021,1022,0,0,0,0,0,0],
    [0,1,2,3,5,7,8,12,18,22,23,24,25,26,30,33,41,43,44,47,50,56,57,59,60,61,62,65,66,67,69,71,73,74,78,79,80,81,82,87,90,92,94,96,98,100,102,103,106,107,108,113,117,121,122,125,126,127,128,130,133,136,143,145,148,149,150,152,154,156,161,165,167,168,170,172,179,181,184,185,186,188,196,204,207,215,217,218,229,230,233,234,235,236,237,242,244,245,246,247,252,254,256,258,261,262,264,266,267,269,272,273,274,275,277,285,287,295,296,297,299,300,302,303,306,310,311,312,313,314,315,319,321,330,334,335,337,338,340,355,358,359,361,362,365,367,368,369,371,374,375,376,380,382,383,384,389,393,395,400,401,403,405,407,408,410,413,415,417,419,423,424,425,426,428,430,432,435,438,440,442,443,450,452,455,459,462,464,465,471,472,474,475,476,477,478,480,483,488,489,492,493,495,496,498,499,500,503,505,512,513,514,518,520,524,531,532,538,539,541,544,551,552,556,557,558,560,563,564,567,569,582,586,588,591,592,596,602,605,606,607,614,615,621,625,627,631,633,638,639,643,644,646,647,650,651,654,656,659,662,665,672,674,678,682,686,687,689,692,696,697,698,703,705,707,711,715,718,721,723,726,728,732,736,739,741,743,758,763,765,770,772,774,778,785,786,787,790,794,799,800,806,812,813,816,823,824,825,829,832,833,841,844,846,847,851,860,861,862,863,864,865,866,869,870,874,876,882,884,885,886,887,891,894,895,896,898,900,901,903,904,906,907,908,912,913,914,916,917,920,924,926,928,930,931,932,934,937,939,940,941,942,946,950,951,953,956,958,960,962,963,964,966,969,973,977,978,979,980,981,984,988,994,1000,1001,1005,1007,1010,1011,1013,1016,1020,1021,1023,0,0,0,0,0,0,0,0,0,0,0,0,0,0,0,0,0,0,0,0,0,0],
    [8,9,11,14,15,17,18,19,20,22,35,36,38,39,40,42,43,45,49,50,55,56,61,62,63,68,71,75,78,79,84,87,97,99,100,102,103,105,106,114,124,127,130,132,136,137,138,140,144,145,146,148,151,155,156,157,162,171,174,178,180,183,184,186,187,190,196,197,198,204,205,209,210,211,213,214,221,222,225,228,229,233,235,239,241,242,243,244,247,248,250,252,253,254,255,256,257,260,263,266,268,270,271,273,274,276,277,278,281,284,285,286,288,289,291,297,298,302,307,309,312,313,317,318,320,323,324,327,328,332,335,346,347,359,364,365,369,371,374,375,377,380,382,384,386,387,388,389,391,392,395,400,404,405,406,409,413,415,417,418,420,422,424,425,426,428,430,431,432,434,437,438,441,442,445,446,451,452,453,455,456,464,466,468,470,471,474,475,476,477,478,479,482,483,492,495,497,498,501,502,503,510,511,515,516,519,523,524,525,527,530,531,532,535,538,539,541,542,543,546,557,559,565,567,570,573,578,581,584,587,592,596,597,598,601,602,604,605,607,611,614,618,620,626,627,628,630,631,638,641,643,644,647,651,652,658,659,662,665,668,673,674,676,677,678,679,682,684,685,694,700,701,704,706,711,712,714,715,717,721,724,725,726,732,734,735,736,738,742,743,744,746,749,750,752,757,761,763,765,766,771,773,775,777,779,780,781,787,788,789,794,795,798,801,803,805,809,812,815,816,821,822,825,826,827,828,833,834,836,838,840,842,844,847,852,854,855,857,858,868,869,870,871,873,874,875,877,880,881,883,885,888,890,896,897,898,899,903,904,910,912,914,916,917,919,923,924,926,927,933,936,938,943,944,950,959,960,962,963,968,974,975,977,983,984,985,986,987,989,990,992,994,998,999,1001,1002,1003,1006,1007,1010,1011,1013,1022,8,8,8,8,8,8,8,8,8,8,8,8,8],
    [0,1,3,4,5,8,9,11,12,15,16,18,26,30,32,33,42,44,48,53,54,56,58,59,60,63,68,70,72,78,80,82,83,85,90,95,96,97,101,103,105,109,111,121,122,134,136,139,140,141,144,150,152,157,158,159,160,163,164,169,171,172,173,174,175,178,181,182,183,184,186,189,192,193,195,197,198,199,200,206,209,211,213,216,218,219,220,222,225,227,231,233,234,235,236,238,241,245,247,248,249,250,255,256,258,261,262,265,269,270,276,277,284,286,292,293,295,296,300,306,307,308,309,311,313,320,328,332,333,334,339,340,342,345,346,349,352,355,357,359,360,362,368,370,375,376,378,382,385,386,387,391,397,407,411,412,416,417,425,430,431,436,438,439,440,441,443,444,450,453,454,456,457,459,461,462,464,466,467,469,470,471,473,476,478,479,480,481,482,483,490,491,493,494,497,498,499,500,501,505,508,509,511,514,515,519,522,524,529,530,534,537,550,551,555,557,558,559,560,561,568,570,573,580,589,593,595,597,598,599,602,603,604,610,623,624,625,627,629,634,636,640,641,645,647,649,656,657,658,659,660,661,662,666,667,668,675,677,680,683,684,685,686,689,693,697,700,703,711,715,716,721,724,725,728,729,732,737,738,739,740,745,746,747,748,750,752,754,755,756,757,759,761,764,772,779,780,784,786,791,792,794,795,802,805,806,807,809,810,812,813,815,818,819,822,824,825,833,834,836,838,839,840,842,843,846,847,848,849,852,857,859,860,868,871,872,877,879,880,881,882,883,885,886,893,895,898,900,901,903,906,907,911,913,914,916,917,925,926,928,929,932,933,938,940,947,950,954,955,958,959,963,964,967,968,970,974,975,976,977,979,981,984,987,991,992,993,994,997,998,999,1000,1001,1003,1005,1008,1009,1010,1014,1017,1018,0,0,0,0,0,0,0,0,0,0,0,0,0,0,0],
    [0,6,14,17,20,21,26,27,28,30,35,38,40,41,42,45,52,57,59,61,62,63,66,71,73,76,77,79,80,83,86,87,88,89,90,91,96,100,103,105,108,110,117,118,122,123,127,130,131,132,134,135,136,139,140,143,146,149,150,154,158,159,160,175,177,181,182,189,191,193,198,199,202,204,206,207,209,210,212,213,216,217,219,221,225,227,230,234,240,243,244,246,247,250,254,264,265,266,268,269,270,275,278,281,283,284,287,288,289,293,294,295,301,302,304,305,309,312,320,322,327,331,332,336,338,343,347,350,355,359,360,361,363,370,371,372,373,376,377,379,385,391,392,394,395,397,399,401,406,417,421,425,429,432,438,439,440,441,443,445,446,449,456,457,458,462,470,472,476,477,484,486,488,489,494,499,501,504,505,508,522,526,530,533,536,537,538,539,540,544,545,549,550,552,553,554,557,562,564,567,568,569,573,574,578,579,580,581,583,585,589,590,591,593,594,595,597,599,600,602,605,607,608,612,614,616,617,625,626,627,636,638,639,640,643,652,653,655,656,657,660,661,664,667,670,678,680,681,684,687,689,691,693,694,695,696,701,703,704,711,712,715,718,720,721,722,723,725,727,729,730,731,732,734,736,739,740,743,747,749,750,751,752,755,757,759,760,761,763,765,767,770,771,773,774,776,777,789,790,794,795,797,799,800,801,805,806,807,810,812,814,817,818,819,822,825,829,830,835,842,844,850,854,858,859,860,861,862,863,865,867,868,870,873,875,876,879,880,881,883,885,893,894,896,897,898,899,901,906,909,910,911,915,917,918,921,923,924,929,930,933,935,938,946,947,948,950,952,956,957,958,961,965,968,969,971,973,977,979,982,985,990,993,1000,1001,1002,1004,1011,1012,1013,1016,1017,1020,1021,1022,0,0,0,0,0,0,0,0,0,0,0,0,0,0,0,0,0,0,0,0,0],
], dtype=np.int32)

_NS = _SAMPLE_IDX.shape[1]
_FLAT_IDX = (_SAMPLE_IDX + (np.arange(_HEADS, dtype=np.int32) * _NQ)[:, None]
             ).reshape(-1).astype(np.int32)
_NSC = 32
_PER_W = _FLAT_IDX.shape[0] // _NSC


def _chan_ln(x, g, b):
    m = jnp.mean(x, axis=0, keepdims=True)
    d = x - m
    var = jnp.mean(d * d, axis=0, keepdims=True)
    return d / jnp.sqrt(var + 1e-5) * g + b


def _prep_body(ctx_ref, qs_ref, wkv_ref, wq_ref, cg_ref, cb_ref, qg_ref,
               qb_ref, k_ref, v_ref, qhm_ref):
    ctxn = _chan_ln(ctx_ref[...], cg_ref[...], cb_ref[...])
    qsn = _chan_ln(qs_ref[...], qg_ref[...], qb_ref[...])

    kv = lax.dot_general(wkv_ref[...], ctxn, (((1,), (0,)), ((), ())),
                         preferred_element_type=jnp.float32)
    q = lax.dot_general(wq_ref[...], qsn, (((1,), (0,)), ((), ())),
                        preferred_element_type=jnp.float32)

    def l2n(x, n_pos):
        xr = x.reshape(_HEADS, _DH, n_pos)
        n = jnp.sqrt(jnp.sum(xr * xr, axis=1, keepdims=True))
        return (xr / jnp.maximum(n, 1e-12)).reshape(_HEADS * _DH, n_pos)

    k_ref[...] = l2n(kv[:_INNER], _NKV)
    v_ref[...] = kv[_INNER:]
    qn = l2n(q, _NQ)

    rows = lax.broadcasted_iota(jnp.int32, (_DH, _DHP), 0)
    cols = lax.broadcasted_iota(jnp.int32, (_DH, _DHP), 1)
    eye = (rows == cols).astype(jnp.float32)
    for h in range(_HEADS):
        qh = qn[h * _DH:(h + 1) * _DH]
        qht = lax.dot_general(qh, eye, (((0,), (0,)), ((), ())),
                              preferred_element_type=jnp.float32,
                              precision=_HIGH)
        qhm_ref[h * _NQ:(h + 1) * _NQ, :] = qht


def _prep_call(ctx2, qs2, W_kv, W_q, cg, cb, qg, qb, interpret=False):
    return pl.pallas_call(
        _prep_body,
        out_shape=[
            jax.ShapeDtypeStruct((_INNER, _NKV), jnp.float32),
            jax.ShapeDtypeStruct((_INNER, _NKV), jnp.float32),
            jax.ShapeDtypeStruct((_HEADS * _NQ, _DHP), jnp.float32),
        ],
        interpret=interpret,
    )(ctx2, qs2, W_kv, W_q, cg, cb, qg, qb)


@functools.cache
def _sc_gather_fn():
    @functools.partial(
        pl.kernel,
        out_type=jax.ShapeDtypeStruct((_HEADS * _NS, _DHP), jnp.float32),
        mesh=plsc.VectorSubcoreMesh(core_axis_name="c", subcore_axis_name="s"),
        scratch_types=[
            pltpu.VMEM((_PER_W,), jnp.int32),
            pltpu.VMEM((_PER_W, _DHP), jnp.float32),
            pltpu.SemaphoreType.DMA,
        ],
    )
    def _sc_gather(qhm_hbm, idx_hbm, out_hbm, idx_v, rows_v, sem):
        wid = lax.axis_index("s") * 2 + lax.axis_index("c")
        base = wid * _PER_W
        pltpu.sync_copy(idx_hbm.at[pl.ds(base, _PER_W)], idx_v)
        pltpu.async_copy(qhm_hbm.at[idx_v], rows_v, sem).wait()
        pltpu.sync_copy(rows_v, out_hbm.at[pl.ds(base, _PER_W)])

    return _sc_gather


_NQB = 4
_QB = _NQ // _NQB
_SCW = 16


def _main_body(k_ref, v_ref, qh_ref, qsm_ref, wo_ref, qs_ref, og_ref, ob_ref,
               gam_ref, out_ref, acc_ref, keep_ref, qsmt_ref):
    h = pl.program_id(0)
    qb = pl.program_id(1)
    kh = k_ref[...]

    @pl.when(qb == 0)
    def _():
        rows = lax.broadcasted_iota(jnp.int32, (_DH, _DHP), 0)
        cols = lax.broadcasted_iota(jnp.int32, (_DH, _DHP), 1)
        sel = (rows == cols).astype(jnp.float32)
        qsm_t = lax.dot_general(sel, qsm_ref[...], (((1,), (1,)), ((), ())),
                                preferred_element_type=jnp.float32,
                                precision=_HIGH)
        for c in range(_NS // _SCW):
            qsmt_ref[c] = qsm_t[:, c * _SCW:(c + 1) * _SCW]

        def s_step(i, md):
            chunk = qsmt_ref[i]
            for j in range(_SCW):
                col = chunk[:, j:j + 1]
                d = jnp.sum(jnp.abs(kh - col), axis=0,
                            keepdims=True)
                md = jnp.minimum(md, d)
            return md

        md = lax.fori_loop(0, _NS // _SCW, s_step,
                           jnp.full((1, _NKV), jnp.inf, jnp.float32))

        ib = lax.bitcast_convert_type(md, jnp.int32)
        one = jnp.int32(1)

        def bit_step(t, v):
            bit = 30 - t
            cand = v | (jnp.left_shift(one, bit) - 1)
            cnt = jnp.sum((ib <= cand).astype(jnp.int32))
            return jnp.where(cnt >= _TOPK, v, v | jnp.left_shift(one, bit))

        vstar = lax.fori_loop(0, 31, bit_step, jnp.int32(0))
        thr = lax.bitcast_convert_type(vstar, jnp.float32)
        keep_ref[0, :] = (md[0] <= thr).astype(jnp.float32)

    keep = keep_ref[0, :] > 0.5
    qh = qh_ref[:, :_DH]
    logits = lax.dot_general(qh, kh, (((1,), (0,)), ((), ())),
                             preferred_element_type=jnp.float32)
    logits = jnp.where(keep[None, :], logits, jnp.float32(-1e30))
    mx = jnp.max(logits, axis=1, keepdims=True)
    p = jnp.exp(logits - mx)
    attn = p / jnp.sum(p, axis=1, keepdims=True)
    att = lax.dot_general(attn, v_ref[...], (((1,), (1,)), ((), ())),
                          preferred_element_type=jnp.float32)
    contrib = lax.dot_general(wo_ref[0], att, (((1,), (1,)), ((), ())),
                              preferred_element_type=jnp.float32)

    @pl.when(h == 0)
    def _():
        acc_ref[:, pl.ds(qb * _QB, _QB)] = contrib

    @pl.when(h > 0)
    def _():
        acc_ref[:, pl.ds(qb * _QB, _QB)] = (
            acc_ref[:, pl.ds(qb * _QB, _QB)] + contrib)

    @pl.when(h == _HEADS - 1)
    def _():
        ln = _chan_ln(acc_ref[:, pl.ds(qb * _QB, _QB)], og_ref[...],
                      ob_ref[...])
        out_ref[...] = gam_ref[0, 0] * ln + qs_ref[...]


def _main_call(k, v, qhm, qsm, W_out, qs2, og, ob, gam, interpret=False):
    W_out = W_out.reshape(_DIM, _HEADS, _DH).transpose(1, 0, 2)
    return pl.pallas_call(
        _main_body,
        grid=(_HEADS, _NQB),
        in_specs=[
            pl.BlockSpec((_DH, _NKV), lambda h, qb: (h, 0)),
            pl.BlockSpec((_DH, _NKV), lambda h, qb: (h, 0)),
            pl.BlockSpec((_QB, _DHP), lambda h, qb: (h * _NQB + qb, 0)),
            pl.BlockSpec((_NS, _DHP), lambda h, qb: (h, 0)),
            pl.BlockSpec((1, _DIM, _DH), lambda h, qb: (h, 0, 0)),
            pl.BlockSpec((_DIM, _QB), lambda h, qb: (0, qb)),
            pl.BlockSpec((_DIM, 1), lambda h, qb: (0, 0)),
            pl.BlockSpec((_DIM, 1), lambda h, qb: (0, 0)),
            pl.BlockSpec((1, 1), lambda h, qb: (0, 0)),
        ],
        out_specs=pl.BlockSpec((_DIM, _QB), lambda h, qb: (0, qb)),
        out_shape=jax.ShapeDtypeStruct((_DIM, _NQ), jnp.float32),
        scratch_shapes=[pltpu.VMEM((_DIM, _NQ), jnp.float32),
                        pltpu.VMEM((1, _NKV), jnp.float32),
                        pltpu.VMEM((_NS // _SCW, _DH, _SCW), jnp.float32)],
        interpret=interpret,
    )(k, v, qhm, qsm, W_out, qs2, og, ob, gam)


def kernel(query_source, context, W_q, W_kv, W_out, ctx_g, ctx_b, qs_g, qs_b,
           out_g, out_b, gamma):
    ctx2 = context.reshape(_DIM, _NKV)
    qs2 = query_source.reshape(_DIM, _NQ)
    col = lambda t: t.reshape(_DIM, 1)
    k, v, qhm = _prep_call(ctx2, qs2, W_kv, W_q, col(ctx_g), col(ctx_b),
                           col(qs_g), col(qs_b))
    qsm = _sc_gather_fn()(qhm, jnp.asarray(_FLAT_IDX))
    out2 = _main_call(k, v, qhm, qsm, W_out, qs2, col(out_g), col(out_b),
                      gamma.reshape(1, 1))
    return out2.reshape(1, _DIM, 32, 32)

# --- scband reference (transcript-rebuilt; emitter-appended) ---
"""Pipeline reference for scband-dpcablock-38929583571413 (READ-ONLY COPY).

The authoritative reference and input builder live on the scoring server;
editing this copy changes nothing except your own understanding.
"""

import jax, jax.numpy as jnp
import numpy as np

DIM = 384
HEADS = 8
DIM_HEAD = 64
INNER = HEADS * DIM_HEAD
TOP_K = 512


def setup_inputs(seed: int = 0) -> dict:
    key = jax.random.key(seed)
    ks = jax.random.split(key, 8)
    query_source = jax.random.normal(ks[0], (1, DIM, 32, 32), dtype=jnp.float32)
    context = jax.random.normal(ks[1], (1, DIM, 64, 64), dtype=jnp.float32)
    W_q = jax.random.normal(ks[2], (INNER, DIM), dtype=jnp.float32) * (1.0 / np.sqrt(DIM))
    W_kv = jax.random.normal(ks[3], (2 * INNER, DIM), dtype=jnp.float32) * (1.0 / np.sqrt(DIM))
    W_out = jax.random.normal(ks[4], (DIM, INNER), dtype=jnp.float32) * (1.0 / np.sqrt(INNER))
    ctx_g = jnp.ones((DIM,), jnp.float32)
    ctx_b = jnp.zeros((DIM,), jnp.float32)
    qs_g = jnp.ones((DIM,), jnp.float32)
    qs_b = jnp.zeros((DIM,), jnp.float32)
    out_g = jnp.ones((DIM,), jnp.float32)
    out_b = jnp.zeros((DIM,), jnp.float32)
    gamma = jnp.asarray(0.1, jnp.float32)
    return {
        'query_source': query_source, 'context': context,
        'W_q': W_q, 'W_kv': W_kv, 'W_out': W_out,
        'ctx_g': ctx_g, 'ctx_b': ctx_b, 'qs_g': qs_g, 'qs_b': qs_b,
        'out_g': out_g, 'out_b': out_b, 'gamma': gamma,
    }


def chan_ln(x, g, b, eps=1e-5):
    mean = jnp.mean(x, axis=1, keepdims=True)
    var = jnp.var(x, axis=1, keepdims=True)
    return (x - mean) / jnp.sqrt(var + eps) * g[None, :, None, None] + b[None, :, None, None]


def l2norm(x):
    n = jnp.linalg.norm(x, axis=1, keepdims=True)
    return x / jnp.maximum(n, 1e-12)


def _min_l1(K, Qs, chunk=32):
    # K: [BH, Lkv, d], Qs: [BH, Nq, d] -> min over Nq of L1 distances: [BH, Lkv]
    BH, Lkv, d = K.shape
    md = jnp.full((BH, Lkv), jnp.inf, dtype=K.dtype)
    for s in range(0, Qs.shape[1], chunk):
        qc = Qs[:, s:s + chunk]
        dc = jnp.sum(jnp.abs(K[:, :, None, :] - qc[:, None, :, :]), axis=-1)
        md = jnp.minimum(md, dc.min(axis=2))
    return md


def reference(query_source, context, W_q, W_kv, W_out, ctx_g, ctx_b, qs_g, qs_b, out_g, out_b, gamma):
    b, c, Hq, Wq = query_source.shape
    ctx = chan_ln(context, ctx_g, ctx_b)
    qsn = chan_ln(query_source, qs_g, qs_b)
    kv = jnp.einsum('oc,bchw->bohw', W_kv, ctx)
    k, v = jnp.split(kv, 2, axis=1)
    q = jnp.einsum('oc,bchw->bohw', W_q, qsn)

    def fold(t):
        B, C, H, W = t.shape
        return t.reshape(B * HEADS, C // HEADS, H, W)

    q = l2norm(fold(q))
    k = l2norm(fold(k))
    v = fold(v)

    def flat(t):
        BH, d, H, W = t.shape
        return t.reshape(b, HEADS, d, H * W).transpose(0, 1, 3, 2)

    q = flat(q)
    k = flat(k)
    v = flat(v)
    Lq = q.shape[2]
    Lkv = k.shape[2]
    top_k = TOP_K if TOP_K > 0 else Lkv // HEADS
    if top_k < Lkv:
        BH = b * HEADS
        qf = q.reshape(BH, Lq, DIM_HEAD)
        kf = k.reshape(BH, Lkv, DIM_HEAD)
        vf = v.reshape(BH, Lkv, DIM_HEAD)
        skey = jax.random.key(42)
        rand_idx = jax.random.randint(skey, (BH, min(top_k, Lq)), 0, Lq)
        q_small = jnp.take_along_axis(qf, rand_idx[:, :, None], axis=1)
        min_d = jax.lax.stop_gradient(_min_l1(kf, q_small))
        _, idx = jax.lax.top_k(-min_d, top_k)
        sel_k = jnp.take_along_axis(kf, idx[:, :, None], axis=1)
        sel_v = jnp.take_along_axis(vf, idx[:, :, None], axis=1)
        k = sel_k.reshape(b, HEADS, top_k, DIM_HEAD)
        v = sel_v.reshape(b, HEADS, top_k, DIM_HEAD)
    logits = jnp.einsum('bhqd,bhkd->bhqk', q, k)  # scale = 1.0
    attn = jax.nn.softmax(logits, axis=-1)
    out = jnp.einsum('bhqk,bhkd->bhqd', attn, v)
    out = out.reshape(b, HEADS, Hq, Wq, DIM_HEAD).transpose(0, 1, 4, 2, 3).reshape(b, INNER, Hq, Wq)
    out = jnp.einsum('oc,bchw->bohw', W_out, out)
    out = chan_ln(out, out_g, out_b)
    return gamma * out + query_source

if __name__ == "__main__":
    import jax
    _d = setup_inputs()
    print(jax.jit(kernel)(*tuple(_d.values())))

</pallas_src>

<mosaic_0001>
#map = affine_map<(d0, d1) -> (0, 0)>
#map1 = affine_map<(d0, d1) -> (0)>
module attributes {stable_mosaic.version = 14 : i64} {
  func.func @_sc_gather(%arg0: i32, %arg1: i32, %arg2: memref<8192x128xf32, #tpu.memory_space<hbm>>, %arg3: memref<3328xi32, #tpu.memory_space<hbm>>, %arg4: memref<3328x128xf32, #tpu.memory_space<hbm>>, %arg5: memref<104xi32, #tpu.memory_space<vmem>>, %arg6: memref<104x128xf32, #tpu.memory_space<vmem>>, %arg7: memref<!tpu.dma_semaphore, #tpu.memory_space<semaphore_mem>>) attributes {dimension_semantics = [#tpu.dimension_semantics<core_parallel>, #tpu.dimension_semantics<subcore_parallel>], iteration_bounds = array<i64: 2, 16>, scalar_prefetch = 0 : i64, scratch_operands = 3 : i64, tpu.core_type = #tpu.core_type<sc_vector_subcore>, window_params = [{transform_indices = #map}, {transform_indices = #map1}, {transform_indices = #map}]} {
    %mul3A = arith.constant 2 : i32
    %mul3A_0 = arith.muli %arg1, %mul3A : i32
    %add3A = arith.addi %mul3A_0, %arg0 : i32
    %mul3A_1 = arith.constant 104 : i32
    %mul3A_2 = arith.muli %add3A, %mul3A_1 : i32
    "tpu.region"() ({
      %run_scoped3A = tpu.sem_alloc : memref<!tpu.dma_semaphore, #tpu.memory_space<semaphore_mem>>
      %dma_start3A_7 = tpu.memref_slice %arg3[%mul3A_2] : memref<3328xi32, #tpu.memory_space<hbm>> -> memref<104xi32, #tpu.memory_space<hbm>>
      %dma_start3A_8 = tpu.memref_slice %arg3[%mul3A_2] : memref<3328xi32, #tpu.memory_space<hbm>> -> memref<104xi32, #tpu.memory_space<hbm>>
      tpu.enqueue_dma source(%dma_start3A_8 : memref<104xi32, #tpu.memory_space<hbm>>) target(%arg5 : memref<104xi32, #tpu.memory_space<vmem>>) target_semaphore(%run_scoped3A : memref<!tpu.dma_semaphore, #tpu.memory_space<semaphore_mem>>)
      %dma_wait3A_9 = tpu.memref_slice %arg3[%mul3A_2] : memref<3328xi32, #tpu.memory_space<hbm>> -> memref<104xi32, #tpu.memory_space<hbm>>
      %dma_wait3A_10 = tpu.memref_slice %arg3[%mul3A_2] : memref<3328xi32, #tpu.memory_space<hbm>> -> memref<104xi32, #tpu.memory_space<hbm>>
      tpu.wait_dma2 semaphore(%run_scoped3A : memref<!tpu.dma_semaphore, #tpu.memory_space<semaphore_mem>>) src(%dma_wait3A_10 : memref<104xi32, #tpu.memory_space<hbm>>) dst(%arg5 : memref<104xi32, #tpu.memory_space<vmem>>)
      tpu.yield
    }) : () -> ()
    %dma_start3A = arith.constant 0 : i32
    %dma_start3A_3 = arith.constant 0 : i32
    %dma_start3A_4 = tpu.memref_slice %arg2[%dma_start3A, %dma_start3A_3] : memref<8192x128xf32, #tpu.memory_space<hbm>> -> memref<8192x128xf32, #tpu.memory_space<hbm>>
    tpu.enqueue_indirect_dma source(%dma_start3A_4 : memref<8192x128xf32, #tpu.memory_space<hbm>>) target(%arg6 : memref<104x128xf32, #tpu.memory_space<vmem>>) offsets(%arg5 : memref<104xi32, #tpu.memory_space<vmem>>) semaphore(%arg7 : memref<!tpu.dma_semaphore, #tpu.memory_space<semaphore_mem>>)
    %dma_wait3A = arith.constant 0 : i32
    %dma_wait3A_5 = arith.constant 0 : i32
    %dma_wait3A_6 = tpu.memref_slice %arg2[%dma_wait3A, %dma_wait3A_5] : memref<8192x128xf32, #tpu.memory_space<hbm>> -> memref<8192x128xf32, #tpu.memory_space<hbm>>
    tpu.wait_indirect_dma semaphore(%arg7 : memref<!tpu.dma_semaphore, #tpu.memory_space<semaphore_mem>>) src(%dma_wait3A_6 : memref<8192x128xf32, #tpu.memory_space<hbm>>) dst(%arg6 : memref<104x128xf32, #tpu.memory_space<vmem>>)
    "tpu.region"() ({
      %run_scoped3A = tpu.sem_alloc : memref<!tpu.dma_semaphore, #tpu.memory_space<semaphore_mem>>
      %dma_start3A_7 = arith.constant 0 : i32
      %dma_start3A_8 = tpu.memref_slice %arg4[%mul3A_2, %dma_start3A_7] : memref<3328x128xf32, #tpu.memory_space<hbm>> -> memref<104x128xf32, #tpu.memory_space<hbm>>
      %dma_start3A_9 = arith.constant 0 : i32
      %dma_start3A_10 = tpu.memref_slice %arg4[%mul3A_2, %dma_start3A_9] : memref<3328x128xf32, #tpu.memory_space<hbm>> -> memref<104x128xf32, #tpu.memory_space<hbm>>
      tpu.enqueue_dma source(%arg6 : memref<104x128xf32, #tpu.memory_space<vmem>>) target(%dma_start3A_10 : memref<104x128xf32, #tpu.memory_space<hbm>>) target_semaphore(%run_scoped3A : memref<!tpu.dma_semaphore, #tpu.memory_space<semaphore_mem>>)
      %dma_wait3A_11 = arith.constant 0 : i32
      %dma_wait3A_12 = tpu.memref_slice %arg4[%mul3A_2, %dma_wait3A_11] : memref<3328x128xf32, #tpu.memory_space<hbm>> -> memref<104x128xf32, #tpu.memory_space<hbm>>
      %dma_wait3A_13 = arith.constant 0 : i32
      %dma_wait3A_14 = tpu.memref_slice %arg4[%mul3A_2, %dma_wait3A_13] : memref<3328x128xf32, #tpu.memory_space<hbm>> -> memref<104x128xf32, #tpu.memory_space<hbm>>
      tpu.wait_dma2 semaphore(%run_scoped3A : memref<!tpu.dma_semaphore, #tpu.memory_space<semaphore_mem>>) src(%arg6 : memref<104x128xf32, #tpu.memory_space<vmem>>) dst(%dma_wait3A_14 : memref<104x128xf32, #tpu.memory_space<hbm>>)
      tpu.yield
    }) : () -> ()
    return
  }
}

module attributes {stable_mosaic.version = 14 : i64} {
  func.func @_prep_body(%arg0: memref<384x4096xf32, #tpu.memory_space<vmem>>, %arg1: memref<384x1024xf32, #tpu.memory_space<vmem>>, %arg2: memref<1024x384xf32, #tpu.memory_space<vmem>>, %arg3: memref<512x384xf32, #tpu.memory_space<vmem>>, %arg4: memref<384x1xf32, #tpu.memory_space<vmem>>, %arg5: memref<384x1xf32, #tpu.memory_space<vmem>>, %arg6: memref<384x1xf32, #tpu.memory_space<vmem>>, %arg7: memref<384x1xf32, #tpu.memory_space<vmem>>, %arg8: memref<512x4096xf32, #tpu.memory_space<vmem>>, %arg9: memref<512x4096xf32, #tpu.memory_space<vmem>>, %arg10: memref<8192x128xf32, #tpu.memory_space<vmem>>) attributes {dimension_semantics = [], scalar_prefetch = 0 : i64, scratch_operands = 0 : i64, tpu.core_type = #tpu.core_type<tc>} {
    %get3A = arith.constant 0 : index
    %get3A_0 = arith.constant 0 : index
    %get3A_1 = vector.load %arg0[%get3A, %get3A_0] : memref<384x4096xf32, #tpu.memory_space<vmem>>, vector<384x4096xf32>
    %get3A_2 = arith.constant 0 : index
    %get3A_3 = arith.constant 0 : index
    %get3A_4 = vector.load %arg4[%get3A_2, %get3A_3] : memref<384x1xf32, #tpu.memory_space<vmem>>, vector<384x1xf32>
    %get3A_5 = arith.constant 0 : index
    %get3A_6 = arith.constant 0 : index
    %get3A_7 = vector.load %arg5[%get3A_5, %get3A_6] : memref<384x1xf32, #tpu.memory_space<vmem>>, vector<384x1xf32>
    %reduce_sum3A = arith.constant dense<0.000000e+00> : vector<4096xf32>
    %reduce_sum3A_8 = vector.multi_reduction <add>, %get3A_1, %reduce_sum3A [0] : vector<384x4096xf32> to vector<4096xf32>
    %broadcast_in_dim3A = vector.shape_cast %reduce_sum3A_8 : vector<4096xf32> to vector<1x4096xf32>
    %div3A = arith.constant 3.840000e+02 : f32
    %div3A_9 = vector.broadcast %div3A : f32 to vector<1x4096xf32>
    %div3A_10 = arith.divf %broadcast_in_dim3A, %div3A_9 : vector<1x4096xf32>
    %sub3A = vector.broadcast %div3A_10 : vector<1x4096xf32> to vector<384x4096xf32>
    %sub3A_11 = arith.subf %get3A_1, %sub3A : vector<384x4096xf32>
    %mul3A = arith.mulf %sub3A_11, %sub3A_11 : vector<384x4096xf32>
    %reduce_sum3A_12 = arith.constant dense<0.000000e+00> : vector<4096xf32>
    %reduce_sum3A_13 = vector.multi_reduction <add>, %mul3A, %reduce_sum3A_12 [0] : vector<384x4096xf32> to vector<4096xf32>
    %broadcast_in_dim3A_14 = vector.shape_cast %reduce_sum3A_13 : vector<4096xf32> to vector<1x4096xf32>
    %div3A_15 = arith.constant 3.840000e+02 : f32
    %div3A_16 = vector.broadcast %div3A_15 : f32 to vector<1x4096xf32>
    %div3A_17 = arith.divf %broadcast_in_dim3A_14, %div3A_16 : vector<1x4096xf32>
    %add3A = arith.constant 9.99999974E-6 : f32
    %add3A_18 = vector.broadcast %add3A : f32 to vector<1x4096xf32>
    %add3A_19 = arith.addf %div3A_17, %add3A_18 : vector<1x4096xf32>
    %sqrt3A = math.sqrt %add3A_19 : vector<1x4096xf32>
    %div3A_20 = vector.broadcast %sqrt3A : vector<1x4096xf32> to vector<384x4096xf32>
    %div3A_21 = arith.divf %sub3A_11, %div3A_20 : vector<384x4096xf32>
    %mul3A_22 = vector.broadcast %get3A_4 : vector<384x1xf32> to vector<384x4096xf32>
    %mul3A_23 = arith.mulf %div3A_21, %mul3A_22 : vector<384x4096xf32>
    %add3A_24 = vector.broadcast %get3A_7 : vector<384x1xf32> to vector<384x4096xf32>
    %add3A_25 = arith.addf %mul3A_23, %add3A_24 : vector<384x4096xf32>
    %get3A_26 = arith.constant 0 : index
    %get3A_27 = arith.constant 0 : index
    %get3A_28 = vector.load %arg1[%get3A_26, %get3A_27] : memref<384x1024xf32, #tpu.memory_space<vmem>>, vector<384x1024xf32>
    %get3A_29 = arith.constant 0 : index
    %get3A_30 = arith.constant 0 : index
    %get3A_31 = vector.load %arg6[%get3A_29, %get3A_30] : memref<384x1xf32, #tpu.memory_space<vmem>>, vector<384x1xf32>
    %get3A_32 = arith.constant 0 : index
    %get3A_33 = arith.constant 0 : index
    %get3A_34 = vector.load %arg7[%get3A_32, %get3A_33] : memref<384x1xf32, #tpu.memory_space<vmem>>, vector<384x1xf32>
    %reduce_sum3A_35 = arith.constant dense<0.000000e+00> : vector<1024xf32>
    %reduce_sum3A_36 = vector.multi_reduction <add>, %get3A_28, %reduce_sum3A_35 [0] : vector<384x1024xf32> to vector<1024xf32>
    %broadcast_in_dim3A_37 = vector.shape_cast %reduce_sum3A_36 : vector<1024xf32> to vector<1x1024xf32>
    %div3A_38 = arith.constant 3.840000e+02 : f32
    %div3A_39 = vector.broadcast %div3A_38 : f32 to vector<1x1024xf32>
    %div3A_40 = arith.divf %broadcast_in_dim3A_37, %div3A_39 : vector<1x1024xf32>
    %sub3A_41 = vector.broadcast %div3A_40 : vector<1x1024xf32> to vector<384x1024xf32>
    %sub3A_42 = arith.subf %get3A_28, %sub3A_41 : vector<384x1024xf32>
    %mul3A_43 = arith.mulf %sub3A_42, %sub3A_42 : vector<384x1024xf32>
    %reduce_sum3A_44 = arith.constant dense<0.000000e+00> : vector<1024xf32>
    %reduce_sum3A_45 = vector.multi_reduction <add>, %mul3A_43, %reduce_sum3A_44 [0] : vector<384x1024xf32> to vector<1024xf32>
    %broadcast_in_dim3A_46 = vector.shape_cast %reduce_sum3A_45 : vector<1024xf32> to vector<1x1024xf32>
    %div3A_47 = arith.constant 3.840000e+02 : f32
    %div3A_48 = vector.broadcast %div3A_47 : f32 to vector<1x1024xf32>
    %div3A_49 = arith.divf %broadcast_in_dim3A_46, %div3A_48 : vector<1x1024xf32>
    %add3A_50 = arith.constant 9.99999974E-6 : f32
    %add3A_51 = vector.broadcast %add3A_50 : f32 to vector<1x1024xf32>
    %add3A_52 = arith.addf %div3A_49, %add3A_51 : vector<1x1024xf32>
    %sqrt3A_53 = math.sqrt %add3A_52 : vector<1x1024xf32>
    %div3A_54 = vector.broadcast %sqrt3A_53 : vector<1x1024xf32> to vector<384x1024xf32>
    %div3A_55 = arith.divf %sub3A_42, %div3A_54 : vector<384x1024xf32>
    %mul3A_56 = vector.broadcast %get3A_31 : vector<384x1xf32> to vector<384x1024xf32>
    %mul3A_57 = arith.mulf %div3A_55, %mul3A_56 : vector<384x1024xf32>
    %add3A_58 = vector.broadcast %get3A_34 : vector<384x1xf32> to vector<384x1024xf32>
    %add3A_59 = arith.addf %mul3A_57, %add3A_58 : vector<384x1024xf32>
    %get3A_60 = arith.constant 0 : index
    %get3A_61 = arith.constant 0 : index
    %get3A_62 = vector.load %arg2[%get3A_60, %get3A_61] : memref<1024x384xf32, #tpu.memory_space<vmem>>, vector<1024x384xf32>
    %dot_general3A = arith.constant dense<0.000000e+00> : vector<1024x4096xf32>
    %dot_general3A_63 = tpu.matmul %get3A_62, %add3A_25, %dot_general3A {dimension_numbers = #tpu.dot_dimension_numbers<[1], [0], [0], [1], [0, 0, 1, 1], [], []>, transpose_lhs_hint = false} : vector<1024x384xf32>, vector<384x4096xf32>, vector<1024x4096xf32> -> vector<1024x4096xf32>
    %get3A_64 = arith.constant 0 : index
    %get3A_65 = arith.constant 0 : index
    %get3A_66 = vector.load %arg3[%get3A_64, %get3A_65] : memref<512x384xf32, #tpu.memory_space<vmem>>, vector<512x384xf32>
    %dot_general3A_67 = arith.constant dense<0.000000e+00> : vector<512x1024xf32>
    %dot_general3A_68 = tpu.matmul %get3A_66, %add3A_59, %dot_general3A_67 {dimension_numbers = #tpu.dot_dimension_numbers<[1], [0], [0], [1], [0, 0, 1, 1], [], []>, transpose_lhs_hint = false} : vector<512x384xf32>, vector<384x1024xf32>, vector<512x1024xf32> -> vector<512x1024xf32>
    %slice3A = vector.extract_strided_slice %dot_general3A_63 {offsets = [0, 0], sizes = [512, 4096], strides = [1, 1]} : vector<1024x4096xf32> to vector<512x4096xf32>
    %reshape3A = vector.shape_cast %slice3A : vector<512x4096xf32> to vector<8x64x4096xf32>
    %mul3A_69 = arith.mulf %reshape3A, %reshape3A : vector<8x64x4096xf32>
    %reduce_sum3A_70 = arith.constant dense<0.000000e+00> : vector<8x4096xf32>
    %reduce_sum3A_71 = vector.multi_reduction <add>, %mul3A_69, %reduce_sum3A_70 [1] : vector<8x64x4096xf32> to vector<8x4096xf32>
    %broadcast_in_dim3A_72 = vector.shape_cast %reduce_sum3A_71 : vector<8x4096xf32> to vector<8x1x4096xf32>
    %sqrt3A_73 = math.sqrt %broadcast_in_dim3A_72 : vector<8x1x4096xf32>
    %max3A = arith.constant 9.99999996E-13 : f32
    %max3A_74 = vector.broadcast %max3A : f32 to vector<8x1x4096xf32>
    %max3A_75 = arith.maximumf %sqrt3A_73, %max3A_74 : vector<8x1x4096xf32>
    %div3A_76 = vector.broadcast %max3A_75 : vector<8x1x4096xf32> to vector<8x64x4096xf32>
    %div3A_77 = arith.divf %reshape3A, %div3A_76 : vector<8x64x4096xf32>
    %reshape3A_78 = vector.shape_cast %div3A_77 : vector<8x64x4096xf32> to vector<512x4096xf32>
    %swap3A = arith.constant 0 : index
    %swap3A_79 = arith.constant 0 : index
    %swap3A_80 = vector.load %arg8[%swap3A, %swap3A_79] : memref<512x4096xf32, #tpu.memory_space<vmem>>, vector<512x4096xf32>
    tpu.vector_store %arg8[%swap3A, %swap3A_79], %reshape3A_78 {strides = array<i32>} : memref<512x4096xf32, #tpu.memory_space<vmem>>, vector<512x4096xf32>,
    %slice3A_81 = vector.extract_strided_slice %dot_general3A_63 {offsets = [512, 0], sizes = [512, 4096], strides = [1, 1]} : vector<1024x4096xf32> to vector<512x4096xf32>
    %swap3A_82 = arith.constant 0 : index
    %swap3A_83 = arith.constant 0 : index
    %swap3A_84 = vector.load %arg9[%swap3A_82, %swap3A_83] : memref<512x4096xf32, #tpu.memory_space<vmem>>, vector<512x4096xf32>
    tpu.vector_store %arg9[%swap3A_82, %swap3A_83], %slice3A_81 {strides = array<i32>} : memref<512x4096xf32, #tpu.memory_space<vmem>>, vector<512x4096xf32>,
    %reshape3A_85 = vector.shape_cast %dot_general3A_68 : vector<512x1024xf32> to vector<8x64x1024xf32>
    %mul3A_86 = arith.mulf %reshape3A_85, %reshape3A_85 : vector<8x64x1024xf32>
    %reduce_sum3A_87 = arith.constant dense<0.000000e+00> : vector<8x1024xf32>
    %reduce_sum3A_88 = vector.multi_reduction <add>, %mul3A_86, %reduce_sum3A_87 [1] : vector<8x64x1024xf32> to vector<8x1024xf32>
    %broadcast_in_dim3A_89 = vector.shape_cast %reduce_sum3A_88 : vector<8x1024xf32> to vector<8x1x1024xf32>
    %sqrt3A_90 = math.sqrt %broadcast_in_dim3A_89 : vector<8x1x1024xf32>
    %max3A_91 = arith.constant 9.99999996E-13 : f32
    %max3A_92 = vector.broadcast %max3A_91 : f32 to vector<8x1x1024xf32>
    %max3A_93 = arith.maximumf %sqrt3A_90, %max3A_92 : vector<8x1x1024xf32>
    %div3A_94 = vector.broadcast %max3A_93 : vector<8x1x1024xf32> to vector<8x64x1024xf32>
    %div3A_95 = arith.divf %reshape3A_85, %div3A_94 : vector<8x64x1024xf32>
    %reshape3A_96 = vector.shape_cast %div3A_95 : vector<8x64x1024xf32> to vector<512x1024xf32>
    %iota3A = tpu.iota {dimensions = array<i32: 0>} : vector<64x128xi32>
    %iota3A_97 = tpu.iota {dimensions = array<i32: 1>} : vector<64x128xi32>
    %eq3A = arith.cmpi eq, %iota3A, %iota3A_97 : vector<64x128xi32>
    %convert_element_type3A = arith.extui %eq3A : vector<64x128xi1> to vector<64x128xi32>
    %convert_element_type3A_98 = arith.sitofp %convert_element_type3A : vector<64x128xi32> to vector<64x128xf32>
    %slice3A_99 = vector.extract_strided_slice %reshape3A_96 {offsets = [0, 0], sizes = [64, 1024], strides = [1, 1]} : vector<512x1024xf32> to vector<64x1024xf32>
    %dot_general3A_100 = arith.constant dense<0.000000e+00> : vector<1024x128xf32>
    %dot_general3A_101 = tpu.matmul %slice3A_99, %convert_element_type3A_98, %dot_general3A_100 {dimension_numbers = #tpu.dot_dimension_numbers<[0], [0], [1], [1], [0, 1, 1, 1], [], []>, precision = #tpu.contract_precision<fp32>, transpose_lhs_hint = false} : vector<64x1024xf32>, vector<64x128xf32>, vector<1024x128xf32> -> vector<1024x128xf32>
    %swap3A_102 = arith.constant 0 : index
    %swap3A_103 = arith.constant 0 : index
    %swap3A_104 = vector.load %arg10[%swap3A_102, %swap3A_103] : memref<8192x128xf32, #tpu.memory_space<vmem>>, vector<1024x128xf32>
    tpu.vector_store %arg10[%swap3A_102, %swap3A_103], %dot_general3A_101 {strides = array<i32>} : memref<8192x128xf32, #tpu.memory_space<vmem>>, vector<1024x128xf32>,
    %slice3A_105 = vector.extract_strided_slice %reshape3A_96 {offsets = [64, 0], sizes = [64, 1024], strides = [1, 1]} : vector<512x1024xf32> to vector<64x1024xf32>
    %dot_general3A_106 = arith.constant dense<0.000000e+00> : vector<1024x128xf32>
    %dot_general3A_107 = tpu.matmul %slice3A_105, %convert_element_type3A_98, %dot_general3A_106 {dimension_numbers = #tpu.dot_dimension_numbers<[0], [0], [1], [1], [0, 1, 1, 1], [], []>, precision = #tpu.contract_precision<fp32>, transpose_lhs_hint = false} : vector<64x1024xf32>, vector<64x128xf32>, vector<1024x128xf32> -> vector<1024x128xf32>
    %swap3A_108 = arith.constant 1024 : index
    %swap3A_109 = arith.constant 0 : index
    %swap3A_110 = vector.load %arg10[%swap3A_108, %swap3A_109] : memref<8192x128xf32, #tpu.memory_space<vmem>>, vector<1024x128xf32>
    tpu.vector_store %arg10[%swap3A_108, %swap3A_109], %dot_general3A_107 {strides = array<i32>} : memref<8192x128xf32, #tpu.memory_space<vmem>>, vector<1024x128xf32>,
    %slice3A_111 = vector.extract_strided_slice %reshape3A_96 {offsets = [128, 0], sizes = [64, 1024], strides = [1, 1]} : vector<512x1024xf32> to vector<64x1024xf32>
    %dot_general3A_112 = arith.constant dense<0.000000e+00> : vector<1024x128xf32>
    %dot_general3A_113 = tpu.matmul %slice3A_111, %convert_element_type3A_98, %dot_general3A_112 {dimension_numbers = #tpu.dot_dimension_numbers<[0], [0], [1], [1], [0, 1, 1, 1], [], []>, precision = #tpu.contract_precision<fp32>, transpose_lhs_hint = false} : vector<64x1024xf32>, vector<64x128xf32>, vector<1024x128xf32> -> vector<1024x128xf32>
    %swap3A_114 = arith.constant 2048 : index
    %swap3A_115 = arith.constant 0 : index
    %swap3A_116 = vector.load %arg10[%swap3A_114, %swap3A_115] : memref<8192x128xf32, #tpu.memory_space<vmem>>, vector<1024x128xf32>
    tpu.vector_store %arg10[%swap3A_114, %swap3A_115], %dot_general3A_113 {strides = array<i32>} : memref<8192x128xf32, #tpu.memory_space<vmem>>, vector<1024x128xf32>,
    %slice3A_117 = vector.extract_strided_slice %reshape3A_96 {offsets = [192, 0], sizes = [64, 1024], strides = [1, 1]} : vector<512x1024xf32> to vector<64x1024xf32>
    %dot_general3A_118 = arith.constant dense<0.000000e+00> : vector<1024x128xf32>
    %dot_general3A_119 = tpu.matmul %slice3A_117, %convert_element_type3A_98, %dot_general3A_118 {dimension_numbers = #tpu.dot_dimension_numbers<[0], [0], [1], [1], [0, 1, 1, 1], [], []>, precision = #tpu.contract_precision<fp32>, transpose_lhs_hint = false} : vector<64x1024xf32>, vector<64x128xf32>, vector<1024x128xf32> -> vector<1024x128xf32>
    %swap3A_120 = arith.constant 3072 : index
    %swap3A_121 = arith.constant 0 : index
    %swap3A_122 = vector.load %arg10[%swap3A_120, %swap3A_121] : memref<8192x128xf32, #tpu.memory_space<vmem>>, vector<1024x128xf32>
    tpu.vector_store %arg10[%swap3A_120, %swap3A_121], %dot_general3A_119 {strides = array<i32>} : memref<8192x128xf32, #tpu.memory_space<vmem>>, vector<1024x128xf32>,
    %slice3A_123 = vector.extract_strided_slice %reshape3A_96 {offsets = [256, 0], sizes = [64, 1024], strides = [1, 1]} : vector<512x1024xf32> to vector<64x1024xf32>
    %dot_general3A_124 = arith.constant dense<0.000000e+00> : vector<1024x128xf32>
    %dot_general3A_125 = tpu.matmul %slice3A_123, %convert_element_type3A_98, %dot_general3A_124 {dimension_numbers = #tpu.dot_dimension_numbers<[0], [0], [1], [1], [0, 1, 1, 1], [], []>, precision = #tpu.contract_precision<fp32>, transpose_lhs_hint = false} : vector<64x1024xf32>, vector<64x128xf32>, vector<1024x128xf32> -> vector<1024x128xf32>
    %swap3A_126 = arith.constant 4096 : index
    %swap3A_127 = arith.constant 0 : index
    %swap3A_128 = vector.load %arg10[%swap3A_126, %swap3A_127] : memref<8192x128xf32, #tpu.memory_space<vmem>>, vector<1024x128xf32>
    tpu.vector_store %arg10[%swap3A_126, %swap3A_127], %dot_general3A_125 {strides = array<i32>} : memref<8192x128xf32, #tpu.memory_space<vmem>>, vector<1024x128xf32>,
    %slice3A_129 = vector.extract_strided_slice %reshape3A_96 {offsets = [320, 0], sizes = [64, 1024], strides = [1, 1]} : vector<512x1024xf32> to vector<64x1024xf32>
    %dot_general3A_130 = arith.constant dense<0.000000e+00> : vector<1024x128xf32>
    %dot_general3A_131 = tpu.matmul %slice3A_129, %convert_element_type3A_98, %dot_general3A_130 {dimension_numbers = #tpu.dot_dimension_numbers<[0], [0], [1], [1], [0, 1, 1, 1], [], []>, precision = #tpu.contract_precision<fp32>, transpose_lhs_hint = false} : vector<64x1024xf32>, vector<64x128xf32>, vector<1024x128xf32> -> vector<1024x128xf32>
    %swap3A_132 = arith.constant 5120 : index
    %swap3A_133 = arith.constant 0 : index
    %swap3A_134 = vector.load %arg10[%swap3A_132, %swap3A_133] : memref<8192x128xf32, #tpu.memory_space<vmem>>, vector<1024x128xf32>
    tpu.vector_store %arg10[%swap3A_132, %swap3A_133], %dot_general3A_131 {strides = array<i32>} : memref<8192x128xf32, #tpu.memory_space<vmem>>, vector<1024x128xf32>,
    %slice3A_135 = vector.extract_strided_slice %reshape3A_96 {offsets = [384, 0], sizes = [64, 1024], strides = [1, 1]} : vector<512x1024xf32> to vector<64x1024xf32>
    %dot_general3A_136 = arith.constant dense<0.000000e+00> : vector<1024x128xf32>
    %dot_general3A_137 = tpu.matmul %slice3A_135, %convert_element_type3A_98, %dot_general3A_136 {dimension_numbers = #tpu.dot_dimension_numbers<[0], [0], [1], [1], [0, 1, 1, 1], [], []>, precision = #tpu.contract_precision<fp32>, transpose_lhs_hint = false} : vector<64x1024xf32>, vector<64x128xf32>, vector<1024x128xf32> -> vector<1024x128xf32>
    %swap3A_138 = arith.constant 6144 : index
    %swap3A_139 = arith.constant 0 : index
    %swap3A_140 = vector.load %arg10[%swap3A_138, %swap3A_139] : memref<8192x128xf32, #tpu.memory_space<vmem>>, vector<1024x128xf32>
    tpu.vector_store %arg10[%swap3A_138, %swap3A_139], %dot_general3A_137 {strides = array<i32>} : memref<8192x128xf32, #tpu.memory_space<vmem>>, vector<1024x128xf32>,
    %slice3A_141 = vector.extract_strided_slice %reshape3A_96 {offsets = [448, 0], sizes = [64, 1024], strides = [1, 1]} : vector<512x1024xf32> to vector<64x1024xf32>
    %dot_general3A_142 = arith.constant dense<0.000000e+00> : vector<1024x128xf32>
    %dot_general3A_143 = tpu.matmul %slice3A_141, %convert_element_type3A_98, %dot_general3A_142 {dimension_numbers = #tpu.dot_dimension_numbers<[0], [0], [1], [1], [0, 1, 1, 1], [], []>, precision = #tpu.contract_precision<fp32>, transpose_lhs_hint = false} : vector<64x1024xf32>, vector<64x128xf32>, vector<1024x128xf32> -> vector<1024x128xf32>
    %swap3A_144 = arith.constant 7168 : index
    %swap3A_145 = arith.constant 0 : index
    %swap3A_146 = vector.load %arg10[%swap3A_144, %swap3A_145] : memref<8192x128xf32, #tpu.memory_space<vmem>>, vector<1024x128xf32>
    tpu.vector_store %arg10[%swap3A_144, %swap3A_145], %dot_general3A_143 {strides = array<i32>} : memref<8192x128xf32, #tpu.memory_space<vmem>>, vector<1024x128xf32>,
    return
  }
}

module attributes {stable_mosaic.version = 14 : i64} {
  func.func @_main_body(%arg0: i32, %arg1: i32, %arg2: memref<64x4096xf32, #tpu.memory_space<vmem>>, %arg3: memref<64x4096xf32, #tpu.memory_space<vmem>>, %arg4: memref<256x128xf32, #tpu.memory_space<vmem>>, %arg5: memref<416x128xf32, #tpu.memory_space<vmem>>, %arg6: memref<1x384x64xf32, #tpu.memory_space<vmem>>, %arg7: memref<384x256xf32, #tpu.memory_space<vmem>>, %arg8: memref<384x1xf32, #tpu.memory_space<vmem>>, %arg9: memref<384x1xf32, #tpu.memory_space<vmem>>, %arg10: memref<1x1xf32, #tpu.memory_space<vmem>>, %arg11: memref<384x256xf32, #tpu.memory_space<vmem>>, %arg12: memref<384x1024xf32, #tpu.memory_space<vmem>>, %arg13: memref<1x4096xf32, #tpu.memory_space<vmem>>, %arg14: memref<26x64x16xf32, #tpu.memory_space<vmem>>) attributes {dimension_semantics = [#tpu.dimension_semantics<arbitrary>, #tpu.dimension_semantics<arbitrary>], iteration_bounds = array<i64: 8, 4>, scalar_prefetch = 0 : i64, scratch_operands = 3 : i64, tpu.core_type = #tpu.core_type<tc>, window_params = [{transform_indices = @transform_0, window_bounds = array<i64: 64, 4096>}, {transform_indices = @transform_1, window_bounds = array<i64: 64, 4096>}, {transform_indices = @transform_2, window_bounds = array<i64: 256, 128>}, {transform_indices = @transform_3, window_bounds = array<i64: 416, 128>}, {transform_indices = @transform_4, window_bounds = array<i64: 1, 384, 64>}, {transform_indices = @transform_5, window_bounds = array<i64: 384, 256>}, {pipeline_mode = #tpu.pipeline_mode<synchronous>, transform_indices = @transform_6, window_bounds = array<i64: 384, 1>}, {pipeline_mode = #tpu.pipeline_mode<synchronous>, transform_indices = @transform_7, window_bounds = array<i64: 384, 1>}, {pipeline_mode = #tpu.pipeline_mode<synchronous>, transform_indices = @transform_8, window_bounds = array<i64: 1, 1>}, {transform_indices = @transform_9, window_bounds = array<i64: 384, 256>}]} {
    %get3A = arith.constant 0 : index
    %get3A_0 = arith.constant 0 : index
    %get3A_1 = vector.load %arg2[%get3A, %get3A_0] : memref<64x4096xf32, #tpu.memory_space<vmem>>, vector<64x4096xf32>
    %eq3A = arith.constant 0 : i32
    %eq3A_2 = arith.cmpi eq, %arg1, %eq3A : i32
    %convert_element_type3A = arith.extui %eq3A_2 : i1 to i32
    %cond3A = arith.constant 0 : i32
    %cond3A_3 = arith.cmpi ne, %convert_element_type3A, %cond3A : i32
    scf.if %cond3A_3 {
      %iota3A = tpu.iota {dimensions = array<i32: 0>} : vector<64x128xi32>
      %iota3A_50 = tpu.iota {dimensions = array<i32: 1>} : vector<64x128xi32>
      %eq3A_51 = arith.cmpi eq, %iota3A, %iota3A_50 : vector<64x128xi32>
      %convert_element_type3A_52 = arith.extui %eq3A_51 : vector<64x128xi1> to vector<64x128xi32>
      %convert_element_type3A_53 = arith.sitofp %convert_element_type3A_52 : vector<64x128xi32> to vector<64x128xf32>
      %get3A_54 = arith.constant 0 : index
      %get3A_55 = arith.constant 0 : index
      %get3A_56 = vector.load %arg5[%get3A_54, %get3A_55] : memref<416x128xf32, #tpu.memory_space<vmem>>, vector<416x128xf32>
      %dot_general3A_57 = arith.constant dense<0.000000e+00> : vector<64x416xf32>
      %dot_general3A_58 = tpu.matmul %convert_element_type3A_53, %get3A_56, %dot_general3A_57 {dimension_numbers = #tpu.dot_dimension_numbers<[1], [1], [0], [0], [0, 0, 1, 0], [], []>, precision = #tpu.contract_precision<fp32>, transpose_lhs_hint = false} : vector<64x128xf32>, vector<416x128xf32>, vector<64x416xf32> -> vector<64x416xf32>
      %slice3A = vector.extract_strided_slice %dot_general3A_58 {offsets = [0, 0], sizes = [64, 16], strides = [1, 1]} : vector<64x416xf32> to vector<64x16xf32>
      %swap3A = arith.constant 0 : index
      %swap3A_59 = arith.constant 0 : index
      %swap3A_60 = arith.constant 0 : index
      %swap3A_61 = vector.load %arg14[%swap3A, %swap3A_59, %swap3A_60] : memref<26x64x16xf32, #tpu.memory_space<vmem>>, vector<1x64x16xf32>
      %swap3A_62 = vector.shape_cast %swap3A_61 : vector<1x64x16xf32> to vector<64x16xf32>
      %swap3A_63 = vector.shape_cast %slice3A : vector<64x16xf32> to vector<1x64x16xf32>
      tpu.vector_store %arg14[%swap3A, %swap3A_59, %swap3A_60], %swap3A_63 {strides = array<i32>} : memref<26x64x16xf32, #tpu.memory_space<vmem>>, vector<1x64x16xf32>,
      %slice3A_64 = vector.extract_strided_slice %dot_general3A_58 {offsets = [0, 16], sizes = [64, 16], strides = [1, 1]} : vector<64x416xf32> to vector<64x16xf32>
      %swap3A_65 = arith.constant 1 : index
      %swap3A_66 = arith.constant 0 : index
      %swap3A_67 = arith.constant 0 : index
      %swap3A_68 = vector.load %arg14[%swap3A_65, %swap3A_66, %swap3A_67] : memref<26x64x16xf32, #tpu.memory_space<vmem>>, vector<1x64x16xf32>
      %swap3A_69 = vector.shape_cast %swap3A_68 : vector<1x64x16xf32> to vector<64x16xf32>
      %swap3A_70 = vector.shape_cast %slice3A_64 : vector<64x16xf32> to vector<1x64x16xf32>
      tpu.vector_store %arg14[%swap3A_65, %swap3A_66, %swap3A_67], %swap3A_70 {strides = array<i32>} : memref<26x64x16xf32, #tpu.memory_space<vmem>>, vector<1x64x16xf32>,
      %slice3A_71 = vector.extract_strided_slice %dot_general3A_58 {offsets = [0, 32], sizes = [64, 16], strides = [1, 1]} : vector<64x416xf32> to vector<64x16xf32>
      %swap3A_72 = arith.constant 2 : index
      %swap3A_73 = arith.constant 0 : index
      %swap3A_74 = arith.constant 0 : index
      %swap3A_75 = vector.load %arg14[%swap3A_72, %swap3A_73, %swap3A_74] : memref<26x64x16xf32, #tpu.memory_space<vmem>>, vector<1x64x16xf32>
      %swap3A_76 = vector.shape_cast %swap3A_75 : vector<1x64x16xf32> to vector<64x16xf32>
      %swap3A_77 = vector.shape_cast %slice3A_71 : vector<64x16xf32> to vector<1x64x16xf32>
      tpu.vector_store %arg14[%swap3A_72, %swap3A_73, %swap3A_74], %swap3A_77 {strides = array<i32>} : memref<26x64x16xf32, #tpu.memory_space<vmem>>, vector<1x64x16xf32>,
      %slice3A_78 = vector.extract_strided_slice %dot_general3A_58 {offsets = [0, 48], sizes = [64, 16], strides = [1, 1]} : vector<64x416xf32> to vector<64x16xf32>
      %swap3A_79 = arith.constant 3 : index
      %swap3A_80 = arith.constant 0 : index
      %swap3A_81 = arith.constant 0 : index
      %swap3A_82 = vector.load %arg14[%swap3A_79, %swap3A_80, %swap3A_81] : memref<26x64x16xf32, #tpu.memory_space<vmem>>, vector<1x64x16xf32>
      %swap3A_83 = vector.shape_cast %swap3A_82 : vector<1x64x16xf32> to vector<64x16xf32>
      %swap3A_84 = vector.shape_cast %slice3A_78 : vector<64x16xf32> to vector<1x64x16xf32>
      tpu.vector_store %arg14[%swap3A_79, %swap3A_80, %swap3A_81], %swap3A_84 {strides = array<i32>} : memref<26x64x16xf32, #tpu.memory_space<vmem>>, vector<1x64x16xf32>,
      %slice3A_85 = vector.extract_strided_slice %dot_general3A_58 {offsets = [0, 64], sizes = [64, 16], strides = [1, 1]} : vector<64x416xf32> to vector<64x16xf32>
      %swap3A_86 = arith.constant 4 : index
      %swap3A_87 = arith.constant 0 : index
      %swap3A_88 = arith.constant 0 : index
      %swap3A_89 = vector.load %arg14[%swap3A_86, %swap3A_87, %swap3A_88] : memref<26x64x16xf32, #tpu.memory_space<vmem>>, vector<1x64x16xf32>
      %swap3A_90 = vector.shape_cast %swap3A_89 : vector<1x64x16xf32> to vector<64x16xf32>
      %swap3A_91 = vector.shape_cast %slice3A_85 : vector<64x16xf32> to vector<1x64x16xf32>
      tpu.vector_store %arg14[%swap3A_86, %swap3A_87, %swap3A_88], %swap3A_91 {strides = array<i32>} : memref<26x64x16xf32, #tpu.memory_space<vmem>>, vector<1x64x16xf32>,
      %slice3A_92 = vector.extract_strided_slice %dot_general3A_58 {offsets = [0, 80], sizes = [64, 16], strides = [1, 1]} : vector<64x416xf32> to vector<64x16xf32>
      %swap3A_93 = arith.constant 5 : index
      %swap3A_94 = arith.constant 0 : index
      %swap3A_95 = arith.constant 0 : index
      %swap3A_96 = vector.load %arg14[%swap3A_93, %swap3A_94, %swap3A_95] : memref<26x64x16xf32, #tpu.memory_space<vmem>>, vector<1x64x16xf32>
      %swap3A_97 = vector.shape_cast %swap3A_96 : vector<1x64x16xf32> to vector<64x16xf32>
      %swap3A_98 = vector.shape_cast %slice3A_92 : vector<64x16xf32> to vector<1x64x16xf32>
      tpu.vector_store %arg14[%swap3A_93, %swap3A_94, %swap3A_95], %swap3A_98 {strides = array<i32>} : memref<26x64x16xf32, #tpu.memory_space<vmem>>, vector<1x64x16xf32>,
      %slice3A_99 = vector.extract_strided_slice %dot_general3A_58 {offsets = [0, 96], sizes = [64, 16], strides = [1, 1]} : vector<64x416xf32> to vector<64x16xf32>
      %swap3A_100 = arith.constant 6 : index
      %swap3A_101 = arith.constant 0 : index
      %swap3A_102 = arith.constant 0 : index
      %swap3A_103 = vector.load %arg14[%swap3A_100, %swap3A_101, %swap3A_102] : memref<26x64x16xf32, #tpu.memory_space<vmem>>, vector<1x64x16xf32>
      %swap3A_104 = vector.shape_cast %swap3A_103 : vector<1x64x16xf32> to vector<64x16xf32>
      %swap3A_105 = vector.shape_cast %slice3A_99 : vector<64x16xf32> to vector<1x64x16xf32>
      tpu.vector_store %arg14[%swap3A_100, %swap3A_101, %swap3A_102], %swap3A_105 {strides = array<i32>} : memref<26x64x16xf32, #tpu.memory_space<vmem>>, vector<1x64x16xf32>,
      %slice3A_106 = vector.extract_strided_slice %dot_general3A_58 {offsets = [0, 112], sizes = [64, 16], strides = [1, 1]} : vector<64x416xf32> to vector<64x16xf32>
      %swap3A_107 = arith.constant 7 : index
      %swap3A_108 = arith.constant 0 : index
      %swap3A_109 = arith.constant 0 : index
      %swap3A_110 = vector.load %arg14[%swap3A_107, %swap3A_108, %swap3A_109] : memref<26x64x16xf32, #tpu.memory_space<vmem>>, vector<1x64x16xf32>
      %swap3A_111 = vector.shape_cast %swap3A_110 : vector<1x64x16xf32> to vector<64x16xf32>
      %swap3A_112 = vector.shape_cast %slice3A_106 : vector<64x16xf32> to vector<1x64x16xf32>
      tpu.vector_store %arg14[%swap3A_107, %swap3A_108, %swap3A_109], %swap3A_112 {strides = array<i32>} : memref<26x64x16xf32, #tpu.memory_space<vmem>>, vector<1x64x16xf32>,
      %slice3A_113 = vector.extract_strided_slice %dot_general3A_58 {offsets = [0, 128], sizes = [64, 16], strides = [1, 1]} : vector<64x416xf32> to vector<64x16xf32>
      %swap3A_114 = arith.constant 8 : index
      %swap3A_115 = arith.constant 0 : index
      %swap3A_116 = arith.constant 0 : index
      %swap3A_117 = vector.load %arg14[%swap3A_114, %swap3A_115, %swap3A_116] : memref<26x64x16xf32, #tpu.memory_space<vmem>>, vector<1x64x16xf32>
      %swap3A_118 = vector.shape_cast %swap3A_117 : vector<1x64x16xf32> to vector<64x16xf32>
      %swap3A_119 = vector.shape_cast %slice3A_113 : vector<64x16xf32> to vector<1x64x16xf32>
      tpu.vector_store %arg14[%swap3A_114, %swap3A_115, %swap3A_116], %swap3A_119 {strides = array<i32>} : memref<26x64x16xf32, #tpu.memory_space<vmem>>, vector<1x64x16xf32>,
      %slice3A_120 = vector.extract_strided_slice %dot_general3A_58 {offsets = [0, 144], sizes = [64, 16], strides = [1, 1]} : vector<64x416xf32> to vector<64x16xf32>
      %swap3A_121 = arith.constant 9 : index
      %swap3A_122 = arith.constant 0 : index
      %swap3A_123 = arith.constant 0 : index
      %swap3A_124 = vector.load %arg14[%swap3A_121, %swap3A_122, %swap3A_123] : memref<26x64x16xf32, #tpu.memory_space<vmem>>, vector<1x64x16xf32>
      %swap3A_125 = vector.shape_cast %swap3A_124 : vector<1x64x16xf32> to vector<64x16xf32>
      %swap3A_126 = vector.shape_cast %slice3A_120 : vector<64x16xf32> to vector<1x64x16xf32>
      tpu.vector_store %arg14[%swap3A_121, %swap3A_122, %swap3A_123], %swap3A_126 {strides = array<i32>} : memref<26x64x16xf32, #tpu.memory_space<vmem>>, vector<1x64x16xf32>,
      %slice3A_127 = vector.extract_strided_slice %dot_general3A_58 {offsets = [0, 160], sizes = [64, 16], strides = [1, 1]} : vector<64x416xf32> to vector<64x16xf32>
      %swap3A_128 = arith.constant 10 : index
      %swap3A_129 = arith.constant 0 : index
      %swap3A_130 = arith.constant 0 : index
      %swap3A_131 = vector.load %arg14[%swap3A_128, %swap3A_129, %swap3A_130] : memref<26x64x16xf32, #tpu.memory_space<vmem>>, vector<1x64x16xf32>
      %swap3A_132 = vector.shape_cast %swap3A_131 : vector<1x64x16xf32> to vector<64x16xf32>
      %swap3A_133 = vector.shape_cast %slice3A_127 : vector<64x16xf32> to vector<1x64x16xf32>
      tpu.vector_store %arg14[%swap3A_128, %swap3A_129, %swap3A_130], %swap3A_133 {strides = array<i32>} : memref<26x64x16xf32, #tpu.memory_space<vmem>>, vector<1x64x16xf32>,
      %slice3A_134 = vector.extract_strided_slice %dot_general3A_58 {offsets = [0, 176], sizes = [64, 16], strides = [1, 1]} : vector<64x416xf32> to vector<64x16xf32>
      %swap3A_135 = arith.constant 11 : index
      %swap3A_136 = arith.constant 0 : index
      %swap3A_137 = arith.constant 0 : index
      %swap3A_138 = vector.load %arg14[%swap3A_135, %swap3A_136, %swap3A_137] : memref<26x64x16xf32, #tpu.memory_space<vmem>>, vector<1x64x16xf32>
      %swap3A_139 = vector.shape_cast %swap3A_138 : vector<1x64x16xf32> to vector<64x16xf32>
      %swap3A_140 = vector.shape_cast %slice3A_134 : vector<64x16xf32> to vector<1x64x16xf32>
      tpu.vector_store %arg14[%swap3A_135, %swap3A_136, %swap3A_137], %swap3A_140 {strides = array<i32>} : memref<26x64x16xf32, #tpu.memory_space<vmem>>, vector<1x64x16xf32>,
      %slice3A_141 = vector.extract_strided_slice %dot_general3A_58 {offsets = [0, 192], sizes = [64, 16], strides = [1, 1]} : vector<64x416xf32> to vector<64x16xf32>
      %swap3A_142 = arith.constant 12 : index
      %swap3A_143 = arith.constant 0 : index
      %swap3A_144 = arith.constant 0 : index
      %swap3A_145 = vector.load %arg14[%swap3A_142, %swap3A_143, %swap3A_144] : memref<26x64x16xf32, #tpu.memory_space<vmem>>, vector<1x64x16xf32>
      %swap3A_146 = vector.shape_cast %swap3A_145 : vector<1x64x16xf32> to vector<64x16xf32>
      %swap3A_147 = vector.shape_cast %slice3A_141 : vector<64x16xf32> to vector<1x64x16xf32>
      tpu.vector_store %arg14[%swap3A_142, %swap3A_143, %swap3A_144], %swap3A_147 {strides = array<i32>} : memref<26x64x16xf32, #tpu.memory_space<vmem>>, vector<1x64x16xf32>,
      %slice3A_148 = vector.extract_strided_slice %dot_general3A_58 {offsets = [0, 208], sizes = [64, 16], strides = [1, 1]} : vector<64x416xf32> to vector<64x16xf32>
      %swap3A_149 = arith.constant 13 : index
      %swap3A_150 = arith.constant 0 : index
      %swap3A_151 = arith.constant 0 : index
      %swap3A_152 = vector.load %arg14[%swap3A_149, %swap3A_150, %swap3A_151] : memref<26x64x16xf32, #tpu.memory_space<vmem>>, vector<1x64x16xf32>
      %swap3A_153 = vector.shape_cast %swap3A_152 : vector<1x64x16xf32> to vector<64x16xf32>
      %swap3A_154 = vector.shape_cast %slice3A_148 : vector<64x16xf32> to vector<1x64x16xf32>
      tpu.vector_store %arg14[%swap3A_149, %swap3A_150, %swap3A_151], %swap3A_154 {strides = array<i32>} : memref<26x64x16xf32, #tpu.memory_space<vmem>>, vector<1x64x16xf32>,
      %slice3A_155 = vector.extract_strided_slice %dot_general3A_58 {offsets = [0, 224], sizes = [64, 16], strides = [1, 1]} : vector<64x416xf32> to vector<64x16xf32>
      %swap3A_156 = arith.constant 14 : index
      %swap3A_157 = arith.constant 0 : index
      %swap3A_158 = arith.constant 0 : index
      %swap3A_159 = vector.load %arg14[%swap3A_156, %swap3A_157, %swap3A_158] : memref<26x64x16xf32, #tpu.memory_space<vmem>>, vector<1x64x16xf32>
      %swap3A_160 = vector.shape_cast %swap3A_159 : vector<1x64x16xf32> to vector<64x16xf32>
      %swap3A_161 = vector.shape_cast %slice3A_155 : vector<64x16xf32> to vector<1x64x16xf32>
      tpu.vector_store %arg14[%swap3A_156, %swap3A_157, %swap3A_158], %swap3A_161 {strides = array<i32>} : memref<26x64x16xf32, #tpu.memory_space<vmem>>, vector<1x64x16xf32>,
      %slice3A_162 = vector.extract_strided_slice %dot_general3A_58 {offsets = [0, 240], sizes = [64, 16], strides = [1, 1]} : vector<64x416xf32> to vector<64x16xf32>
      %swap3A_163 = arith.constant 15 : index
      %swap3A_164 = arith.constant 0 : index
      %swap3A_165 = arith.constant 0 : index
      %swap3A_166 = vector.load %arg14[%swap3A_163, %swap3A_164, %swap3A_165] : memref<26x64x16xf32, #tpu.memory_space<vmem>>, vector<1x64x16xf32>
      %swap3A_167 = vector.shape_cast %swap3A_166 : vector<1x64x16xf32> to vector<64x16xf32>
      %swap3A_168 = vector.shape_cast %slice3A_162 : vector<64x16xf32> to vector<1x64x16xf32>
      tpu.vector_store %arg14[%swap3A_163, %swap3A_164, %swap3A_165], %swap3A_168 {strides = array<i32>} : memref<26x64x16xf32, #tpu.memory_space<vmem>>, vector<1x64x16xf32>,
      %slice3A_169 = vector.extract_strided_slice %dot_general3A_58 {offsets = [0, 256], sizes = [64, 16], strides = [1, 1]} : vector<64x416xf32> to vector<64x16xf32>
      %swap3A_170 = arith.constant 16 : index
      %swap3A_171 = arith.constant 0 : index
      %swap3A_172 = arith.constant 0 : index
      %swap3A_173 = vector.load %arg14[%swap3A_170, %swap3A_171, %swap3A_172] : memref<26x64x16xf32, #tpu.memory_space<vmem>>, vector<1x64x16xf32>
      %swap3A_174 = vector.shape_cast %swap3A_173 : vector<1x64x16xf32> to vector<64x16xf32>
      %swap3A_175 = vector.shape_cast %slice3A_169 : vector<64x16xf32> to vector<1x64x16xf32>
      tpu.vector_store %arg14[%swap3A_170, %swap3A_171, %swap3A_172], %swap3A_175 {strides = array<i32>} : memref<26x64x16xf32, #tpu.memory_space<vmem>>, vector<1x64x16xf32>,
      %slice3A_176 = vector.extract_strided_slice %dot_general3A_58 {offsets = [0, 272], sizes = [64, 16], strides = [1, 1]} : vector<64x416xf32> to vector<64x16xf32>
      %swap3A_177 = arith.constant 17 : index
      %swap3A_178 = arith.constant 0 : index
      %swap3A_179 = arith.constant 0 : index
      %swap3A_180 = vector.load %arg14[%swap3A_177, %swap3A_178, %swap3A_179] : memref<26x64x16xf32, #tpu.memory_space<vmem>>, vector<1x64x16xf32>
      %swap3A_181 = vector.shape_cast %swap3A_180 : vector<1x64x16xf32> to vector<64x16xf32>
      %swap3A_182 = vector.shape_cast %slice3A_176 : vector<64x16xf32> to vector<1x64x16xf32>
      tpu.vector_store %arg14[%swap3A_177, %swap3A_178, %swap3A_179], %swap3A_182 {strides = array<i32>} : memref<26x64x16xf32, #tpu.memory_space<vmem>>, vector<1x64x16xf32>,
      %slice3A_183 = vector.extract_strided_slice %dot_general3A_58 {offsets = [0, 288], sizes = [64, 16], strides = [1, 1]} : vector<64x416xf32> to vector<64x16xf32>
      %swap3A_184 = arith.constant 18 : index
      %swap3A_185 = arith.constant 0 : index
      %swap3A_186 = arith.constant 0 : index
      %swap3A_187 = vector.load %arg14[%swap3A_184, %swap3A_185, %swap3A_186] : memref<26x64x16xf32, #tpu.memory_space<vmem>>, vector<1x64x16xf32>
      %swap3A_188 = vector.shape_cast %swap3A_187 : vector<1x64x16xf32> to vector<64x16xf32>
      %swap3A_189 = vector.shape_cast %slice3A_183 : vector<64x16xf32> to vector<1x64x16xf32>
      tpu.vector_store %arg14[%swap3A_184, %swap3A_185, %swap3A_186], %swap3A_189 {strides = array<i32>} : memref<26x64x16xf32, #tpu.memory_space<vmem>>, vector<1x64x16xf32>,
      %slice3A_190 = vector.extract_strided_slice %dot_general3A_58 {offsets = [0, 304], sizes = [64, 16], strides = [1, 1]} : vector<64x416xf32> to vector<64x16xf32>
      %swap3A_191 = arith.constant 19 : index
      %swap3A_192 = arith.constant 0 : index
      %swap3A_193 = arith.constant 0 : index
      %swap3A_194 = vector.load %arg14[%swap3A_191, %swap3A_192, %swap3A_193] : memref<26x64x16xf32, #tpu.memory_space<vmem>>, vector<1x64x16xf32>
      %swap3A_195 = vector.shape_cast %swap3A_194 : vector<1x64x16xf32> to vector<64x16xf32>
      %swap3A_196 = vector.shape_cast %slice3A_190 : vector<64x16xf32> to vector<1x64x16xf32>
      tpu.vector_store %arg14[%swap3A_191, %swap3A_192, %swap3A_193], %swap3A_196 {strides = array<i32>} : memref<26x64x16xf32, #tpu.memory_space<vmem>>, vector<1x64x16xf32>,
      %slice3A_197 = vector.extract_strided_slice %dot_general3A_58 {offsets = [0, 320], sizes = [64, 16], strides = [1, 1]} : vector<64x416xf32> to vector<64x16xf32>
      %swap3A_198 = arith.constant 20 : index
      %swap3A_199 = arith.constant 0 : index
      %swap3A_200 = arith.constant 0 : index
      %swap3A_201 = vector.load %arg14[%swap3A_198, %swap3A_199, %swap3A_200] : memref<26x64x16xf32, #tpu.memory_space<vmem>>, vector<1x64x16xf32>
      %swap3A_202 = vector.shape_cast %swap3A_201 : vector<1x64x16xf32> to vector<64x16xf32>
      %swap3A_203 = vector.shape_cast %slice3A_197 : vector<64x16xf32> to vector<1x64x16xf32>
      tpu.vector_store %arg14[%swap3A_198, %swap3A_199, %swap3A_200], %swap3A_203 {strides = array<i32>} : memref<26x64x16xf32, #tpu.memory_space<vmem>>, vector<1x64x16xf32>,
      %slice3A_204 = vector.extract_strided_slice %dot_general3A_58 {offsets = [0, 336], sizes = [64, 16], strides = [1, 1]} : vector<64x416xf32> to vector<64x16xf32>
      %swap3A_205 = arith.constant 21 : index
      %swap3A_206 = arith.constant 0 : index
      %swap3A_207 = arith.constant 0 : index
      %swap3A_208 = vector.load %arg14[%swap3A_205, %swap3A_206, %swap3A_207] : memref<26x64x16xf32, #tpu.memory_space<vmem>>, vector<1x64x16xf32>
      %swap3A_209 = vector.shape_cast %swap3A_208 : vector<1x64x16xf32> to vector<64x16xf32>
      %swap3A_210 = vector.shape_cast %slice3A_204 : vector<64x16xf32> to vector<1x64x16xf32>
      tpu.vector_store %arg14[%swap3A_205, %swap3A_206, %swap3A_207], %swap3A_210 {strides = array<i32>} : memref<26x64x16xf32, #tpu.memory_space<vmem>>, vector<1x64x16xf32>,
      %slice3A_211 = vector.extract_strided_slice %dot_general3A_58 {offsets = [0, 352], sizes = [64, 16], strides = [1, 1]} : vector<64x416xf32> to vector<64x16xf32>
      %swap3A_212 = arith.constant 22 : index
      %swap3A_213 = arith.constant 0 : index
      %swap3A_214 = arith.constant 0 : index
      %swap3A_215 = vector.load %arg14[%swap3A_212, %swap3A_213, %swap3A_214] : memref<26x64x16xf32, #tpu.memory_space<vmem>>, vector<1x64x16xf32>
      %swap3A_216 = vector.shape_cast %swap3A_215 : vector<1x64x16xf32> to vector<64x16xf32>
      %swap3A_217 = vector.shape_cast %slice3A_211 : vector<64x16xf32> to vector<1x64x16xf32>
      tpu.vector_store %arg14[%swap3A_212, %swap3A_213, %swap3A_214], %swap3A_217 {strides = array<i32>} : memref<26x64x16xf32, #tpu.memory_space<vmem>>, vector<1x64x16xf32>,
      %slice3A_218 = vector.extract_strided_slice %dot_general3A_58 {offsets = [0, 368], sizes = [64, 16], strides = [1, 1]} : vector<64x416xf32> to vector<64x16xf32>
      %swap3A_219 = arith.constant 23 : index
      %swap3A_220 = arith.constant 0 : index
      %swap3A_221 = arith.constant 0 : index
      %swap3A_222 = vector.load %arg14[%swap3A_219, %swap3A_220, %swap3A_221] : memref<26x64x16xf32, #tpu.memory_space<vmem>>, vector<1x64x16xf32>
      %swap3A_223 = vector.shape_cast %swap3A_222 : vector<1x64x16xf32> to vector<64x16xf32>
      %swap3A_224 = vector.shape_cast %slice3A_218 : vector<64x16xf32> to vector<1x64x16xf32>
      tpu.vector_store %arg14[%swap3A_219, %swap3A_220, %swap3A_221], %swap3A_224 {strides = array<i32>} : memref<26x64x16xf32, #tpu.memory_space<vmem>>, vector<1x64x16xf32>,
      %slice3A_225 = vector.extract_strided_slice %dot_general3A_58 {offsets = [0, 384], sizes = [64, 16], strides = [1, 1]} : vector<64x416xf32> to vector<64x16xf32>
      %swap3A_226 = arith.constant 24 : index
      %swap3A_227 = arith.constant 0 : index
      %swap3A_228 = arith.constant 0 : index
      %swap3A_229 = vector.load %arg14[%swap3A_226, %swap3A_227, %swap3A_228] : memref<26x64x16xf32, #tpu.memory_space<vmem>>, vector<1x64x16xf32>
      %swap3A_230 = vector.shape_cast %swap3A_229 : vector<1x64x16xf32> to vector<64x16xf32>
      %swap3A_231 = vector.shape_cast %slice3A_225 : vector<64x16xf32> to vector<1x64x16xf32>
      tpu.vector_store %arg14[%swap3A_226, %swap3A_227, %swap3A_228], %swap3A_231 {strides = array<i32>} : memref<26x64x16xf32, #tpu.memory_space<vmem>>, vector<1x64x16xf32>,
      %slice3A_232 = vector.extract_strided_slice %dot_general3A_58 {offsets = [0, 400], sizes = [64, 16], strides = [1, 1]} : vector<64x416xf32> to vector<64x16xf32>
      %swap3A_233 = arith.constant 25 : index
      %swap3A_234 = arith.constant 0 : index
      %swap3A_235 = arith.constant 0 : index
      %swap3A_236 = vector.load %arg14[%swap3A_233, %swap3A_234, %swap3A_235] : memref<26x64x16xf32, #tpu.memory_space<vmem>>, vector<1x64x16xf32>
      %swap3A_237 = vector.shape_cast %swap3A_236 : vector<1x64x16xf32> to vector<64x16xf32>
      %swap3A_238 = vector.shape_cast %slice3A_232 : vector<64x16xf32> to vector<1x64x16xf32>
      tpu.vector_store %arg14[%swap3A_233, %swap3A_234, %swap3A_235], %swap3A_238 {strides = array<i32>} : memref<26x64x16xf32, #tpu.memory_space<vmem>>, vector<1x64x16xf32>,
      %broadcast_in_dim3A_239 = arith.constant 0x7F800000 : f32
      %broadcast_in_dim3A_240 = vector.broadcast %broadcast_in_dim3A_239 : f32 to vector<1x4096xf32>
      %scan3A = arith.constant 0 : i32
      %scan3A_241 = arith.constant 26 : i32
      %scan3A_242 = arith.addi %scan3A, %scan3A_241 : i32
      %scan3A_243 = arith.constant 1 : i32
      %scan3A_244 = scf.for %scan3A_263 = %scan3A to %scan3A_242 step %scan3A_243 iter_args(%scan3A_264 = %broadcast_in_dim3A_240) -> (vector<1x4096xf32>)  : i32 {
        %get3A_265 = arith.index_cast %scan3A_263 : i32 to index
        %get3A_266 = arith.constant 0 : index
        %get3A_267 = arith.constant 0 : index
        %get3A_268 = vector.load %arg14[%get3A_265, %get3A_266, %get3A_267] : memref<26x64x16xf32, #tpu.memory_space<vmem>>, vector<1x64x16xf32>
        %get3A_269 = vector.shape_cast %get3A_268 : vector<1x64x16xf32> to vector<64x16xf32>
        %slice3A_270 = vector.extract_strided_slice %get3A_269 {offsets = [0, 0], sizes = [64, 1], strides = [1, 1]} : vector<64x16xf32> to vector<64x1xf32>
        %sub3A_271 = vector.broadcast %slice3A_270 : vector<64x1xf32> to vector<64x4096xf32>
        %sub3A_272 = arith.subf %get3A_1, %sub3A_271 : vector<64x4096xf32>
        %abs3A = math.absf %sub3A_272 : vector<64x4096xf32>
        %reduce_sum3A_273 = arith.constant dense<0.000000e+00> : vector<4096xf32>
        %reduce_sum3A_274 = vector.multi_reduction <add>, %abs3A, %reduce_sum3A_273 [0] : vector<64x4096xf32> to vector<4096xf32>
        %broadcast_in_dim3A_275 = vector.shape_cast %reduce_sum3A_274 : vector<4096xf32> to vector<1x4096xf32>
        %min3A = arith.minimumf %scan3A_264, %broadcast_in_dim3A_275 : vector<1x4096xf32>
        %slice3A_276 = vector.extract_strided_slice %get3A_269 {offsets = [0, 1], sizes = [64, 1], strides = [1, 1]} : vector<64x16xf32> to vector<64x1xf32>
        %sub3A_277 = vector.broadcast %slice3A_276 : vector<64x1xf32> to vector<64x4096xf32>
        %sub3A_278 = arith.subf %get3A_1, %sub3A_277 : vector<64x4096xf32>
        %abs3A_279 = math.absf %sub3A_278 : vector<64x4096xf32>
        %reduce_sum3A_280 = arith.constant dense<0.000000e+00> : vector<4096xf32>
        %reduce_sum3A_281 = vector.multi_reduction <add>, %abs3A_279, %reduce_sum3A_280 [0] : vector<64x4096xf32> to vector<4096xf32>
        %broadcast_in_dim3A_282 = vector.shape_cast %reduce_sum3A_281 : vector<4096xf32> to vector<1x4096xf32>
        %min3A_283 = arith.minimumf %min3A, %broadcast_in_dim3A_282 : vector<1x4096xf32>
        %slice3A_284 = vector.extract_strided_slice %get3A_269 {offsets = [0, 2], sizes = [64, 1], strides = [1, 1]} : vector<64x16xf32> to vector<64x1xf32>
        %sub3A_285 = vector.broadcast %slice3A_284 : vector<64x1xf32> to vector<64x4096xf32>
        %sub3A_286 = arith.subf %get3A_1, %sub3A_285 : vector<64x4096xf32>
        %abs3A_287 = math.absf %sub3A_286 : vector<64x4096xf32>
        %reduce_sum3A_288 = arith.constant dense<0.000000e+00> : vector<4096xf32>
        %reduce_sum3A_289 = vector.multi_reduction <add>, %abs3A_287, %reduce_sum3A_288 [0] : vector<64x4096xf32> to vector<4096xf32>
        %broadcast_in_dim3A_290 = vector.shape_cast %reduce_sum3A_289 : vector<4096xf32> to vector<1x4096xf32>
        %min3A_291 = arith.minimumf %min3A_283, %broadcast_in_dim3A_290 : vector<1x4096xf32>
        %slice3A_292 = vector.extract_strided_slice %get3A_269 {offsets = [0, 3], sizes = [64, 1], strides = [1, 1]} : vector<64x16xf32> to vector<64x1xf32>
        %sub3A_293 = vector.broadcast %slice3A_292 : vector<64x1xf32> to vector<64x4096xf32>
        %sub3A_294 = arith.subf %get3A_1, %sub3A_293 : vector<64x4096xf32>
        %abs3A_295 = math.absf %sub3A_294 : vector<64x4096xf32>
        %reduce_sum3A_296 = arith.constant dense<0.000000e+00> : vector<4096xf32>
        %reduce_sum3A_297 = vector.multi_reduction <add>, %abs3A_295, %reduce_sum3A_296 [0] : vector<64x4096xf32> to vector<4096xf32>
        %broadcast_in_dim3A_298 = vector.shape_cast %reduce_sum3A_297 : vector<4096xf32> to vector<1x4096xf32>
        %min3A_299 = arith.minimumf %min3A_291, %broadcast_in_dim3A_298 : vector<1x4096xf32>
        %slice3A_300 = vector.extract_strided_slice %get3A_269 {offsets = [0, 4], sizes = [64, 1], strides = [1, 1]} : vector<64x16xf32> to vector<64x1xf32>
        %sub3A_301 = vector.broadcast %slice3A_300 : vector<64x1xf32> to vector<64x4096xf32>
        %sub3A_302 = arith.subf %get3A_1, %sub3A_301 : vector<64x4096xf32>
        %abs3A_303 = math.absf %sub3A_302 : vector<64x4096xf32>
        %reduce_sum3A_304 = arith.constant dense<0.000000e+00> : vector<4096xf32>
        %reduce_sum3A_305 = vector.multi_reduction <add>, %abs3A_303, %reduce_sum3A_304 [0] : vector<64x4096xf32> to vector<4096xf32>
        %broadcast_in_dim3A_306 = vector.shape_cast %reduce_sum3A_305 : vector<4096xf32> to vector<1x4096xf32>
        %min3A_307 = arith.minimumf %min3A_299, %broadcast_in_dim3A_306 : vector<1x4096xf32>
        %slice3A_308 = vector.extract_strided_slice %get3A_269 {offsets = [0, 5], sizes = [64, 1], strides = [1, 1]} : vector<64x16xf32> to vector<64x1xf32>
        %sub3A_309 = vector.broadcast %slice3A_308 : vector<64x1xf32> to vector<64x4096xf32>
        %sub3A_310 = arith.subf %get3A_1, %sub3A_309 : vector<64x4096xf32>
        %abs3A_311 = math.absf %sub3A_310 : vector<64x4096xf32>
        %reduce_sum3A_312 = arith.constant dense<0.000000e+00> : vector<4096xf32>
        %reduce_sum3A_313 = vector.multi_reduction <add>, %abs3A_311, %reduce_sum3A_312 [0] : vector<64x4096xf32> to vector<4096xf32>
        %broadcast_in_dim3A_314 = vector.shape_cast %reduce_sum3A_313 : vector<4096xf32> to vector<1x4096xf32>
        %min3A_315 = arith.minimumf %min3A_307, %broadcast_in_dim3A_314 : vector<1x4096xf32>
        %slice3A_316 = vector.extract_strided_slice %get3A_269 {offsets = [0, 6], sizes = [64, 1], strides = [1, 1]} : vector<64x16xf32> to vector<64x1xf32>
        %sub3A_317 = vector.broadcast %slice3A_316 : vector<64x1xf32> to vector<64x4096xf32>
        %sub3A_318 = arith.subf %get3A_1, %sub3A_317 : vector<64x4096xf32>
        %abs3A_319 = math.absf %sub3A_318 : vector<64x4096xf32>
        %reduce_sum3A_320 = arith.constant dense<0.000000e+00> : vector<4096xf32>
        %reduce_sum3A_321 = vector.multi_reduction <add>, %abs3A_319, %reduce_sum3A_320 [0] : vector<64x4096xf32> to vector<4096xf32>
        %broadcast_in_dim3A_322 = vector.shape_cast %reduce_sum3A_321 : vector<4096xf32> to vector<1x4096xf32>
        %min3A_323 = arith.minimumf %min3A_315, %broadcast_in_dim3A_322 : vector<1x4096xf32>
        %slice3A_324 = vector.extract_strided_slice %get3A_269 {offsets = [0, 7], sizes = [64, 1], strides = [1, 1]} : vector<64x16xf32> to vector<64x1xf32>
        %sub3A_325 = vector.broadcast %slice3A_324 : vector<64x1xf32> to vector<64x4096xf32>
        %sub3A_326 = arith.subf %get3A_1, %sub3A_325 : vector<64x4096xf32>
        %abs3A_327 = math.absf %sub3A_326 : vector<64x4096xf32>
        %reduce_sum3A_328 = arith.constant dense<0.000000e+00> : vector<4096xf32>
        %reduce_sum3A_329 = vector.multi_reduction <add>, %abs3A_327, %reduce_sum3A_328 [0] : vector<64x4096xf32> to vector<4096xf32>
        %broadcast_in_dim3A_330 = vector.shape_cast %reduce_sum3A_329 : vector<4096xf32> to vector<1x4096xf32>
        %min3A_331 = arith.minimumf %min3A_323, %broadcast_in_dim3A_330 : vector<1x4096xf32>
        %slice3A_332 = vector.extract_strided_slice %get3A_269 {offsets = [0, 8], sizes = [64, 1], strides = [1, 1]} : vector<64x16xf32> to vector<64x1xf32>
        %sub3A_333 = vector.broadcast %slice3A_332 : vector<64x1xf32> to vector<64x4096xf32>
        %sub3A_334 = arith.subf %get3A_1, %sub3A_333 : vector<64x4096xf32>
        %abs3A_335 = math.absf %sub3A_334 : vector<64x4096xf32>
        %reduce_sum3A_336 = arith.constant dense<0.000000e+00> : vector<4096xf32>
        %reduce_sum3A_337 = vector.multi_reduction <add>, %abs3A_335, %reduce_sum3A_336 [0] : vector<64x4096xf32> to vector<4096xf32>
        %broadcast_in_dim3A_338 = vector.shape_cast %reduce_sum3A_337 : vector<4096xf32> to vector<1x4096xf32>
        %min3A_339 = arith.minimumf %min3A_331, %broadcast_in_dim3A_338 : vector<1x4096xf32>
        %slice3A_340 = vector.extract_strided_slice %get3A_269 {offsets = [0, 9], sizes = [64, 1], strides = [1, 1]} : vector<64x16xf32> to vector<64x1xf32>
        %sub3A_341 = vector.broadcast %slice3A_340 : vector<64x1xf32> to vector<64x4096xf32>
        %sub3A_342 = arith.subf %get3A_1, %sub3A_341 : vector<64x4096xf32>
        %abs3A_343 = math.absf %sub3A_342 : vector<64x4096xf32>
        %reduce_sum3A_344 = arith.constant dense<0.000000e+00> : vector<4096xf32>
        %reduce_sum3A_345 = vector.multi_reduction <add>, %abs3A_343, %reduce_sum3A_344 [0] : vector<64x4096xf32> to vector<4096xf32>
        %broadcast_in_dim3A_346 = vector.shape_cast %reduce_sum3A_345 : vector<4096xf32> to vector<1x4096xf32>
        %min3A_347 = arith.minimumf %min3A_339, %broadcast_in_dim3A_346 : vector<1x4096xf32>
        %slice3A_348 = vector.extract_strided_slice %get3A_269 {offsets = [0, 10], sizes = [64, 1], strides = [1, 1]} : vector<64x16xf32> to vector<64x1xf32>
        %sub3A_349 = vector.broadcast %slice3A_348 : vector<64x1xf32> to vector<64x4096xf32>
        %sub3A_350 = arith.subf %get3A_1, %sub3A_349 : vector<64x4096xf32>
        %abs3A_351 = math.absf %sub3A_350 : vector<64x4096xf32>
        %reduce_sum3A_352 = arith.constant dense<0.000000e+00> : vector<4096xf32>
        %reduce_sum3A_353 = vector.multi_reduction <add>, %abs3A_351, %reduce_sum3A_352 [0] : vector<64x4096xf32> to vector<4096xf32>
        %broadcast_in_dim3A_354 = vector.shape_cast %reduce_sum3A_353 : vector<4096xf32> to vector<1x4096xf32>
        %min3A_355 = arith.minimumf %min3A_347, %broadcast_in_dim3A_354 : vector<1x4096xf32>
        %slice3A_356 = vector.extract_strided_slice %get3A_269 {offsets = [0, 11], sizes = [64, 1], strides = [1, 1]} : vector<64x16xf32> to vector<64x1xf32>
        %sub3A_357 = vector.broadcast %slice3A_356 : vector<64x1xf32> to vector<64x4096xf32>
        %sub3A_358 = arith.subf %get3A_1, %sub3A_357 : vector<64x4096xf32>
        %abs3A_359 = math.absf %sub3A_358 : vector<64x4096xf32>
        %reduce_sum3A_360 = arith.constant dense<0.000000e+00> : vector<4096xf32>
        %reduce_sum3A_361 = vector.multi_reduction <add>, %abs3A_359, %reduce_sum3A_360 [0] : vector<64x4096xf32> to vector<4096xf32>
        %broadcast_in_dim3A_362 = vector.shape_cast %reduce_sum3A_361 : vector<4096xf32> to vector<1x4096xf32>
        %min3A_363 = arith.minimumf %min3A_355, %broadcast_in_dim3A_362 : vector<1x4096xf32>
        %slice3A_364 = vector.extract_strided_slice %get3A_269 {offsets = [0, 12], sizes = [64, 1], strides = [1, 1]} : vector<64x16xf32> to vector<64x1xf32>
        %sub3A_365 = vector.broadcast %slice3A_364 : vector<64x1xf32> to vector<64x4096xf32>
        %sub3A_366 = arith.subf %get3A_1, %sub3A_365 : vector<64x4096xf32>
        %abs3A_367 = math.absf %sub3A_366 : vector<64x4096xf32>
        %reduce_sum3A_368 = arith.constant dense<0.000000e+00> : vector<4096xf32>
        %reduce_sum3A_369 = vector.multi_reduction <add>, %abs3A_367, %reduce_sum3A_368 [0] : vector<64x4096xf32> to vector<4096xf32>
        %broadcast_in_dim3A_370 = vector.shape_cast %reduce_sum3A_369 : vector<4096xf32> to vector<1x4096xf32>
        %min3A_371 = arith.minimumf %min3A_363, %broadcast_in_dim3A_370 : vector<1x4096xf32>
        %slice3A_372 = vector.extract_strided_slice %get3A_269 {offsets = [0, 13], sizes = [64, 1], strides = [1, 1]} : vector<64x16xf32> to vector<64x1xf32>
        %sub3A_373 = vector.broadcast %slice3A_372 : vector<64x1xf32> to vector<64x4096xf32>
        %sub3A_374 = arith.subf %get3A_1, %sub3A_373 : vector<64x4096xf32>
        %abs3A_375 = math.absf %sub3A_374 : vector<64x4096xf32>
        %reduce_sum3A_376 = arith.constant dense<0.000000e+00> : vector<4096xf32>
        %reduce_sum3A_377 = vector.multi_reduction <add>, %abs3A_375, %reduce_sum3A_376 [0] : vector<64x4096xf32> to vector<4096xf32>
        %broadcast_in_dim3A_378 = vector.shape_cast %reduce_sum3A_377 : vector<4096xf32> to vector<1x4096xf32>
        %min3A_379 = arith.minimumf %min3A_371, %broadcast_in_dim3A_378 : vector<1x4096xf32>
        %slice3A_380 = vector.extract_strided_slice %get3A_269 {offsets = [0, 14], sizes = [64, 1], strides = [1, 1]} : vector<64x16xf32> to vector<64x1xf32>
        %sub3A_381 = vector.broadcast %slice3A_380 : vector<64x1xf32> to vector<64x4096xf32>
        %sub3A_382 = arith.subf %get3A_1, %sub3A_381 : vector<64x4096xf32>
        %abs3A_383 = math.absf %sub3A_382 : vector<64x4096xf32>
        %reduce_sum3A_384 = arith.constant dense<0.000000e+00> : vector<4096xf32>
        %reduce_sum3A_385 = vector.multi_reduction <add>, %abs3A_383, %reduce_sum3A_384 [0] : vector<64x4096xf32> to vector<4096xf32>
        %broadcast_in_dim3A_386 = vector.shape_cast %reduce_sum3A_385 : vector<4096xf32> to vector<1x4096xf32>
        %min3A_387 = arith.minimumf %min3A_379, %broadcast_in_dim3A_386 : vector<1x4096xf32>
        %slice3A_388 = vector.extract_strided_slice %get3A_269 {offsets = [0, 15], sizes = [64, 1], strides = [1, 1]} : vector<64x16xf32> to vector<64x1xf32>
        %sub3A_389 = vector.broadcast %slice3A_388 : vector<64x1xf32> to vector<64x4096xf32>
        %sub3A_390 = arith.subf %get3A_1, %sub3A_389 : vector<64x4096xf32>
        %abs3A_391 = math.absf %sub3A_390 : vector<64x4096xf32>
        %reduce_sum3A_392 = arith.constant dense<0.000000e+00> : vector<4096xf32>
        %reduce_sum3A_393 = vector.multi_reduction <add>, %abs3A_391, %reduce_sum3A_392 [0] : vector<64x4096xf32> to vector<4096xf32>
        %broadcast_in_dim3A_394 = vector.shape_cast %reduce_sum3A_393 : vector<4096xf32> to vector<1x4096xf32>
        %min3A_395 = arith.minimumf %min3A_387, %broadcast_in_dim3A_394 : vector<1x4096xf32>
        scf.yield %min3A_395 : vector<1x4096xf32>
      }
      %scan3A_245 = arith.constant 26 : i32
      %bitcast_convert_type3A = tpu.bitcast %scan3A_244 : vector<1x4096xf32> -> vector<1x4096xi32>
      %scan3A_246 = arith.constant 1 : i32
      %scan3A_247 = arith.constant 0 : i32
      %scan3A_248 = arith.constant 0 : i32
      %scan3A_249 = arith.constant 31 : i32
      %scan3A_250 = arith.addi %scan3A_248, %scan3A_249 : i32
      %scan3A_251 = arith.constant 1 : i32
      %scan3A_252 = scf.for %scan3A_263 = %scan3A_248 to %scan3A_250 step %scan3A_251 iter_args(%scan3A_264 = %scan3A_247) -> (i32)  : i32 {
        %sub3A_265 = arith.constant 30 : i32
        %sub3A_266 = arith.subi %sub3A_265, %scan3A_263 : i32
        %shift_left3A = arith.shli %scan3A_246, %sub3A_266 : i32
        %sub3A_267 = arith.constant 1 : i32
        %sub3A_268 = arith.subi %shift_left3A, %sub3A_267 : i32
        %or3A = arith.ori %scan3A_264, %sub3A_268 : i32
        %le3A_269 = vector.broadcast %or3A : i32 to vector<1x4096xi32>
        %le3A_270 = arith.cmpi sle, %bitcast_convert_type3A, %le3A_269 : vector<1x4096xi32>
        %convert_element_type3A_271 = arith.extui %le3A_270 : vector<1x4096xi1> to vector<1x4096xi32>
        %reduce_sum3A_272 = vector.shape_cast %convert_element_type3A_271 : vector<1x4096xi32> to vector<1x1x4096xi32>
        %reduce_sum3A_273 = arith.constant dense<0> : vector<1xi32>
        %reduce_sum3A_274 = vector.multi_reduction <add>, %reduce_sum3A_272, %reduce_sum3A_273 [1, 2] : vector<1x1x4096xi32> to vector<1xi32>
        %reduce_sum3A_275 = vector.shape_cast %reduce_sum3A_274 : vector<1xi32> to vector<1x1x1xi32>
        %reduce_sum3A_276 = vector.extract %reduce_sum3A_275[0, 0, 0] : i32 from vector<1x1x1xi32>
        %ge3A = arith.constant 512 : i32
        %ge3A_277 = arith.cmpi sge, %reduce_sum3A_276, %ge3A : i32
        %shift_left3A_278 = arith.shli %scan3A_246, %sub3A_266 : i32
        %or3A_279 = arith.ori %scan3A_264, %shift_left3A_278 : i32
        %select_n3A_280 = arith.select %ge3A_277, %scan3A_264, %or3A_279 : i32
        scf.yield %select_n3A_280 : i32
      }
      %scan3A_253 = arith.constant 31 : i32
      %bitcast_convert_type3A_254 = arith.bitcast %scan3A_252 : i32 to f32
      %squeeze3A = vector.shape_cast %scan3A_244 : vector<1x4096xf32> to vector<4096xf32>
      %le3A = vector.broadcast %bitcast_convert_type3A_254 : f32 to vector<4096xf32>
      %le3A_255 = arith.cmpf ole, %squeeze3A, %le3A : vector<4096xf32>
      %convert_element_type3A_256 = arith.extui %le3A_255 : vector<4096xi1> to vector<4096xi32>
      %convert_element_type3A_257 = arith.sitofp %convert_element_type3A_256 : vector<4096xi32> to vector<4096xf32>
      %swap3A_258 = arith.constant 0 : index
      %swap3A_259 = arith.constant 0 : index
      %swap3A_260 = vector.load %arg13[%swap3A_258, %swap3A_259] : memref<1x4096xf32, #tpu.memory_space<vmem>>, vector<1x4096xf32>
      %swap3A_261 = vector.shape_cast %swap3A_260 : vector<1x4096xf32> to vector<4096xf32>
      %swap3A_262 = vector.shape_cast %convert_element_type3A_257 : vector<4096xf32> to vector<1x4096xf32>
      tpu.vector_store %arg13[%swap3A_258, %swap3A_259], %swap3A_262 {strides = array<i32>} : memref<1x4096xf32, #tpu.memory_space<vmem>>, vector<1x4096xf32>,
    } else {
    }
    %get3A_4 = arith.constant 0 : index
    %get3A_5 = arith.constant 0 : index
    %get3A_6 = vector.load %arg13[%get3A_4, %get3A_5] : memref<1x4096xf32, #tpu.memory_space<vmem>>, vector<1x4096xf32>
    %get3A_7 = vector.shape_cast %get3A_6 : vector<1x4096xf32> to vector<4096xf32>
    %gt3A = arith.constant 5.000000e-01 : f32
    %gt3A_8 = vector.broadcast %gt3A : f32 to vector<4096xf32>
    %gt3A_9 = arith.cmpf ogt, %get3A_7, %gt3A_8 : vector<4096xf32>
    %get3A_10 = arith.constant 0 : index
    %get3A_11 = arith.constant 0 : index
    %get3A_12 = vector.load %arg4[%get3A_10, %get3A_11] : memref<256x128xf32, #tpu.memory_space<vmem>>, vector<256x64xf32>
    %dot_general3A = arith.constant dense<0.000000e+00> : vector<256x4096xf32>
    %dot_general3A_13 = tpu.matmul %get3A_12, %get3A_1, %dot_general3A {dimension_numbers = #tpu.dot_dimension_numbers<[1], [0], [0], [1], [0, 0, 1, 1], [], []>, transpose_lhs_hint = false} : vector<256x64xf32>, vector<64x4096xf32>, vector<256x4096xf32> -> vector<256x4096xf32>
    %broadcast_in_dim3A = vector.shape_cast %gt3A_9 : vector<4096xi1> to vector<1x4096xi1>
    %jit3A = arith.constant -1.000000e+30 : f32
    %broadcast_in_dim3A_14 = vector.shape_cast %broadcast_in_dim3A : vector<1x4096xi1> to vector<1x4096xi1>
    %broadcast_in_dim3A_15 = vector.broadcast %broadcast_in_dim3A_14 : vector<1x4096xi1> to vector<256x4096xi1>
    %broadcast_in_dim3A_16 = vector.broadcast %jit3A : f32 to vector<256x4096xf32>
    %select_n3A = arith.select %broadcast_in_dim3A_15, %dot_general3A_13, %broadcast_in_dim3A_16 : vector<256x4096xi1>, vector<256x4096xf32>
    %reduce_max3A = arith.constant dense<0xFF800000> : vector<256xf32>
    %reduce_max3A_17 = vector.multi_reduction <maximumf>, %select_n3A, %reduce_max3A [1] : vector<256x4096xf32> to vector<256xf32>
    %broadcast_in_dim3A_18 = vector.shape_cast %reduce_max3A_17 : vector<256xf32> to vector<256x1xf32>
    %sub3A = vector.broadcast %broadcast_in_dim3A_18 : vector<256x1xf32> to vector<256x4096xf32>
    %sub3A_19 = arith.subf %select_n3A, %sub3A : vector<256x4096xf32>
    %exp3A = math.exp %sub3A_19 : vector<256x4096xf32>
    %reduce_sum3A = arith.constant dense<0.000000e+00> : vector<256xf32>
    %reduce_sum3A_20 = vector.multi_reduction <add>, %exp3A, %reduce_sum3A [1] : vector<256x4096xf32> to vector<256xf32>
    %broadcast_in_dim3A_21 = vector.shape_cast %reduce_sum3A_20 : vector<256xf32> to vector<256x1xf32>
    %div3A = vector.broadcast %broadcast_in_dim3A_21 : vector<256x1xf32> to vector<256x4096xf32>
    %div3A_22 = arith.divf %exp3A, %div3A : vector<256x4096xf32>
    %get3A_23 = arith.constant 0 : index
    %get3A_24 = arith.constant 0 : index
    %get3A_25 = vector.load %arg3[%get3A_23, %get3A_24] : memref<64x4096xf32, #tpu.memory_space<vmem>>, vector<64x4096xf32>
    %dot_general3A_26 = arith.constant dense<0.000000e+00> : vector<256x64xf32>
    %dot_general3A_27 = tpu.matmul %div3A_22, %get3A_25, %dot_general3A_26 {dimension_numbers = #tpu.dot_dimension_numbers<[1], [1], [0], [0], [0, 0, 1, 0], [], []>, transpose_lhs_hint = false} : vector<256x4096xf32>, vector<64x4096xf32>, vector<256x64xf32> -> vector<256x64xf32>
    %get3A_28 = arith.constant 0 : index
    %get3A_29 = arith.constant 0 : index
    %get3A_30 = arith.constant 0 : index
    %get3A_31 = vector.load %arg6[%get3A_28, %get3A_29, %get3A_30] : memref<1x384x64xf32, #tpu.memory_space<vmem>>, vector<1x384x64xf32>
    %get3A_32 = vector.shape_cast %get3A_31 : vector<1x384x64xf32> to vector<384x64xf32>
    %dot_general3A_33 = arith.constant dense<0.000000e+00> : vector<384x256xf32>
    %dot_general3A_34 = tpu.matmul %get3A_32, %dot_general3A_27, %dot_general3A_33 {dimension_numbers = #tpu.dot_dimension_numbers<[1], [1], [0], [0], [0, 0, 1, 0], [], []>, transpose_lhs_hint = false} : vector<384x64xf32>, vector<256x64xf32>, vector<384x256xf32> -> vector<384x256xf32>
    %eq3A_35 = arith.constant 0 : i32
    %eq3A_36 = arith.cmpi eq, %arg0, %eq3A_35 : i32
    %convert_element_type3A_37 = arith.extui %eq3A_36 : i1 to i32
    %cond3A_38 = arith.constant 0 : i32
    %cond3A_39 = arith.cmpi ne, %convert_element_type3A_37, %cond3A_38 : i32
    scf.if %cond3A_39 {
      %mul3A = arith.constant 256 : i32
      %mul3A_50 = arith.muli %arg1, %mul3A : i32
      %swap3A = arith.constant 0 : index
      %swap3A_51 = arith.index_cast %mul3A_50 : i32 to index
      %swap3A_52 = vector.load %arg12[%swap3A, %swap3A_51] : memref<384x1024xf32, #tpu.memory_space<vmem>>, vector<384x256xf32>
      tpu.vector_store %arg12[%swap3A, %swap3A_51], %dot_general3A_34 {strides = array<i32>} : memref<384x1024xf32, #tpu.memory_space<vmem>>, vector<384x256xf32>,
    } else {
    }
    %gt3A_40 = arith.constant 0 : i32
    %gt3A_41 = arith.cmpi sgt, %arg0, %gt3A_40 : i32
    %convert_element_type3A_42 = arith.extui %gt3A_41 : i1 to i32
    %cond3A_43 = arith.constant 0 : i32
    %cond3A_44 = arith.cmpi ne, %convert_element_type3A_42, %cond3A_43 : i32
    scf.if %cond3A_44 {
      %mul3A = arith.constant 256 : i32
      %mul3A_50 = arith.muli %arg1, %mul3A : i32
      %get3A_51 = arith.constant 0 : index
      %get3A_52 = arith.index_cast %mul3A_50 : i32 to index
      %get3A_53 = vector.load %arg12[%get3A_51, %get3A_52] : memref<384x1024xf32, #tpu.memory_space<vmem>>, vector<384x256xf32>
      %add3A = arith.addf %get3A_53, %dot_general3A_34 : vector<384x256xf32>
      %mul3A_54 = arith.constant 256 : i32
      %mul3A_55 = arith.muli %arg1, %mul3A_54 : i32
      %swap3A = arith.constant 0 : index
      %swap3A_56 = arith.index_cast %mul3A_55 : i32 to index
      %swap3A_57 = vector.load %arg12[%swap3A, %swap3A_56] : memref<384x1024xf32, #tpu.memory_space<vmem>>, vector<384x256xf32>
      tpu.vector_store %arg12[%swap3A, %swap3A_56], %add3A {strides = array<i32>} : memref<384x1024xf32, #tpu.memory_space<vmem>>, vector<384x256xf32>,
    } else {
    }
    %eq3A_45 = arith.constant 7 : i32
    %eq3A_46 = arith.cmpi eq, %arg0, %eq3A_45 : i32
    %convert_element_type3A_47 = arith.extui %eq3A_46 : i1 to i32
    %cond3A_48 = arith.constant 0 : i32
    %cond3A_49 = arith.cmpi ne, %convert_element_type3A_47, %cond3A_48 : i32
    scf.if %cond3A_49 {
      %mul3A = arith.constant 256 : i32
      %mul3A_50 = arith.muli %arg1, %mul3A : i32
      %get3A_51 = arith.constant 0 : index
      %get3A_52 = arith.index_cast %mul3A_50 : i32 to index
      %get3A_53 = vector.load %arg12[%get3A_51, %get3A_52] : memref<384x1024xf32, #tpu.memory_space<vmem>>, vector<384x256xf32>
      %get3A_54 = arith.constant 0 : index
      %get3A_55 = arith.constant 0 : index
      %get3A_56 = vector.load %arg8[%get3A_54, %get3A_55] : memref<384x1xf32, #tpu.memory_space<vmem>>, vector<384x1xf32>
      %get3A_57 = arith.constant 0 : index
      %get3A_58 = arith.constant 0 : index
      %get3A_59 = vector.load %arg9[%get3A_57, %get3A_58] : memref<384x1xf32, #tpu.memory_space<vmem>>, vector<384x1xf32>
      %reduce_sum3A_60 = arith.constant dense<0.000000e+00> : vector<256xf32>
      %reduce_sum3A_61 = vector.multi_reduction <add>, %get3A_53, %reduce_sum3A_60 [0] : vector<384x256xf32> to vector<256xf32>
      %broadcast_in_dim3A_62 = vector.shape_cast %reduce_sum3A_61 : vector<256xf32> to vector<1x256xf32>
      %div3A_63 = arith.constant 3.840000e+02 : f32
      %div3A_64 = vector.broadcast %div3A_63 : f32 to vector<1x256xf32>
      %div3A_65 = arith.divf %broadcast_in_dim3A_62, %div3A_64 : vector<1x256xf32>
      %sub3A_66 = vector.broadcast %div3A_65 : vector<1x256xf32> to vector<384x256xf32>
      %sub3A_67 = arith.subf %get3A_53, %sub3A_66 : vector<384x256xf32>
      %mul3A_68 = arith.mulf %sub3A_67, %sub3A_67 : vector<384x256xf32>
      %reduce_sum3A_69 = arith.constant dense<0.000000e+00> : vector<256xf32>
      %reduce_sum3A_70 = vector.multi_reduction <add>, %mul3A_68, %reduce_sum3A_69 [0] : vector<384x256xf32> to vector<256xf32>
      %broadcast_in_dim3A_71 = vector.shape_cast %reduce_sum3A_70 : vector<256xf32> to vector<1x256xf32>
      %div3A_72 = arith.constant 3.840000e+02 : f32
      %div3A_73 = vector.broadcast %div3A_72 : f32 to vector<1x256xf32>
      %div3A_74 = arith.divf %broadcast_in_dim3A_71, %div3A_73 : vector<1x256xf32>
      %add3A = arith.constant 9.99999974E-6 : f32
      %add3A_75 = vector.broadcast %add3A : f32 to vector<1x256xf32>
      %add3A_76 = arith.addf %div3A_74, %add3A_75 : vector<1x256xf32>
      %sqrt3A = math.sqrt %add3A_76 : vector<1x256xf32>
      %div3A_77 = vector.broadcast %sqrt3A : vector<1x256xf32> to vector<384x256xf32>
      %div3A_78 = arith.divf %sub3A_67, %div3A_77 : vector<384x256xf32>
      %mul3A_79 = vector.broadcast %get3A_56 : vector<384x1xf32> to vector<384x256xf32>
      %mul3A_80 = arith.mulf %div3A_78, %mul3A_79 : vector<384x256xf32>
      %add3A_81 = vector.broadcast %get3A_59 : vector<384x1xf32> to vector<384x256xf32>
      %add3A_82 = arith.addf %mul3A_80, %add3A_81 : vector<384x256xf32>
      %get3A_83 = arith.constant 0 : index
      %get3A_84 = arith.constant 0 : index
      %get3A_85 = vector.load %arg10[%get3A_83, %get3A_84] : memref<1x1xf32, #tpu.memory_space<vmem>>, vector<1x1xf32>
      %get3A_86 = vector.extract %get3A_85[0, 0] : f32 from vector<1x1xf32>
      %mul3A_87 = vector.broadcast %get3A_86 : f32 to vector<384x256xf32>
      %mul3A_88 = arith.mulf %mul3A_87, %add3A_82 : vector<384x256xf32>
      %get3A_89 = arith.constant 0 : index
      %get3A_90 = arith.constant 0 : index
      %get3A_91 = vector.load %arg7[%get3A_89, %get3A_90] : memref<384x256xf32, #tpu.memory_space<vmem>>, vector<384x256xf32>
      %add3A_92 = arith.addf %mul3A_88, %get3A_91 : vector<384x256xf32>
      %swap3A = arith.constant 0 : index
      %swap3A_93 = arith.constant 0 : index
      %swap3A_94 = vector.load %arg11[%swap3A, %swap3A_93] : memref<384x256xf32, #tpu.memory_space<vmem>>, vector<384x256xf32>
      tpu.vector_store %arg11[%swap3A, %swap3A_93], %add3A_92 {strides = array<i32>} : memref<384x256xf32, #tpu.memory_space<vmem>>, vector<384x256xf32>,
    } else {
    }
    return
  }
  func.func @transform_0(%arg0: i32, %arg1: i32) -> (i32, i32) {
    %c0_i32 = arith.constant 0 : i32
    %c0_i32_0 = arith.constant 0 : i32
    return %arg0, %c0_i32 : i32, i32
  }
  func.func @transform_1(%arg0: i32, %arg1: i32) -> (i32, i32) {
    %c0_i32 = arith.constant 0 : i32
    %c0_i32_0 = arith.constant 0 : i32
    return %arg0, %c0_i32 : i32, i32
  }
  func.func @transform_2(%arg0: i32, %arg1: i32) -> (i32, i32) {
    %mul3A = arith.constant 4 : i32
    %mul3A_0 = arith.muli %arg0, %mul3A : i32
    %add3A = arith.addi %mul3A_0, %arg1 : i32
    %c0_i32 = arith.constant 0 : i32
    %c0_i32_1 = arith.constant 0 : i32
    return %add3A, %c0_i32 : i32, i32
  }
  func.func @transform_3(%arg0: i32, %arg1: i32) -> (i32, i32) {
    %c0_i32 = arith.constant 0 : i32
    %c0_i32_0 = arith.constant 0 : i32
    return %arg0, %c0_i32 : i32, i32
  }
  func.func @transform_4(%arg0: i32, %arg1: i32) -> (i32, i32, i32) {
    %c0_i32 = arith.constant 0 : i32
    %c0_i32_0 = arith.constant 0 : i32
    %c0_i32_1 = arith.constant 0 : i32
    return %arg0, %c0_i32, %c0_i32_0 : i32, i32, i32
  }
  func.func @transform_5(%arg0: i32, %arg1: i32) -> (i32, i32) {
    %c0_i32 = arith.constant 0 : i32
    %c0_i32_0 = arith.constant 0 : i32
    return %c0_i32, %arg1 : i32, i32
  }
  func.func @transform_6(%arg0: i32, %arg1: i32) -> (i32, i32) {
    %c0_i32 = arith.constant 0 : i32
    %c0_i32_0 = arith.constant 0 : i32
    %c0_i32_1 = arith.constant 0 : i32
    return %c0_i32, %c0_i32_0 : i32, i32
  }
  func.func @transform_7(%arg0: i32, %arg1: i32) -> (i32, i32) {
    %c0_i32 = arith.constant 0 : i32
    %c0_i32_0 = arith.constant 0 : i32
    %c0_i32_1 = arith.constant 0 : i32
    return %c0_i32, %c0_i32_0 : i32, i32
  }
  func.func @transform_8(%arg0: i32, %arg1: i32) -> (i32, i32) {
    %c0_i32 = arith.constant 0 : i32
    %c0_i32_0 = arith.constant 0 : i32
    %c0_i32_1 = arith.constant 0 : i32
    return %c0_i32, %c0_i32_0 : i32, i32
  }
  func.func @transform_9(%arg0: i32, %arg1: i32) -> (i32, i32) {
    %c0_i32 = arith.constant 0 : i32
    %c0_i32_0 = arith.constant 0 : i32
    return %c0_i32, %arg1 : i32, i32
  }
}

</mosaic_0001>

<sc_bundles>
// kernel: kernel.5.cloned.1.call-start
scs
__scs_entry_jumppad:
0x0: {  	(pc) =	sbr.rel $0x88, $3  }
0x1: {  	(tag) =	ssettag $0x0;
	lr =	simm.s32 $0x1  }
0x2: {  	[smem:$0x3F95] =	sst lr;
	_ =	strace $0xD0000000  }
0x3: {  	_ = 	snop  }
0x4: {  	_ = 	snop  }
0x5: {  	_ = 	snop  }
0x6: {  	_ = 	snop  }
0x7: {  	_ = 	snop  }
__scs_overlays_trampoline_lowered:
0x8: {  	[smem:$0x3FA4] =	sst s0  }
0x9: {  	[smem:$0x3FA5] =	sst s1  }
0xa: {  	[smem:$0x3FA6] =	sst s2  }
0xb: {  	[smem:$0x3FA7] =	sst s3  }
0xc: {  	[smem:$0x3FA8] =	sst s4  }
0xd: {  	[smem:$0x3FA9] =	sst s5  }
0xe: {  	[smem:$0x3FAA] =	sst s6  }
0xf: {  	[smem:$0x3FAB] =	sst s7  }
0x10: {  	[smem:$0x3FAC] =	sst s8  }
0x11: {  	[smem:$0x3FAD] =	sst s9;
	s0 =	simm.s32 @!p0 $0x0  }
0x12: {  	s1 =	sld [smem:$0x3F93];
	s0 =	simm.s32 @p0 $0x1  }
0x13: {  	[smem:$0x3FAE] =	sst s0;
	s0 =	simm.s32 @!p1 $0x0  }
0x14: {  	s2 =	sld [smem:$0x3F92];
	s0 =	simm.s32 @p1 $0x1  }
0x15: {  	[smem:$0x3FAF] =	sst s0;
	s0 =	simm.s32 @!p2 $0x0  }
0x16: {  	s3 =	sld [smem:$0x3FDB];
	s0 =	simm.s32 @p2 $0x1  }
0x17: {  	s4 =	simm.s32 $0x1BF5;
	[smem:$0x3FB1] =	sst s0  }
0x18: {  	s0 =	sld [smem:$0x3F94];
	_ =	swait.ge [sflag:s4], $0x0  }
0x19: {  	s7 =	sld [smem:$0x3F95]  }
0x1a: {  	s8 =	sadd.s32 $0xFFFFE003, lr  }
0x1b: {  	s9 =	sadd.s32 $0xFFFFFEF7, lr;
	s5 =	simm.s32 $0xFFFFFFFF;
	p2 =	slt.u32 s8, $0xFFFFF086  }
0x1c: {  	p1 =	slt.u32 s9, $0xF7A;
	s5 =	simm.s32 @!p2 $0x0  }
0x1d: {  	s5 =	simm.s32 @p1 $0x1;
	p0 =	seq.s32 s7, s2  }
0x1e: {  	s7 =	smul.u32 @!p0 $0xF7A, s2;
	p2 =	seq.s32 @!p0 s5, $0x0  }
0x1f: {  	s9 =	smul.u32 $0xF7A, s1;
	s8 =	simm.s32 @!p0 $0x1BF5;
	p2 =	por !p2, p0  }
0x20: {  	[sflag:s8] =	ssyncset.s32 @!p0 $0xFFFFF086;
	s6 =	sadd.s32 @!p0 s3, s7;
	s7 =	simm.s32 @!p0 $0x108  }
0x21: {  	s3 =	sadd.s32 s3, s9;
	s6 =	sadd.s32 @!p0 $0x88, s6;
	s7 =	simm.s32 @p2 $0x1082  }
0x22: {  	[simem:s7], [sflag:s8] =	dma.local @!p0 [hbm:s6], $0xF7A  }
0x23: {  	s9 =	sor.u32 $0xD0000000, s2;
	s6 =	simm.s32 $0x108;
	_ =	swait.ge @!p0 [sflag:s8], $0x0  }
0x24: {  	s3 =	sadd.s32 $0x88, s3;
	s6 =	simm.s32 @!p1 $0x1082;
	[sflag:s4] =	ssyncset.s32 $0xFFFFF086  }
0x25: {  	[simem:s6], [sflag:s4] =	dma.local [hbm:s3], $0xF7A  }
0x26: {  	[smem:$0x3F95] =	sst s1;
	(tag) =	ssettag s2;
	_ =	strace s9  }
0x27: {  	s1 =	sld [smem:$0x3FA5]  }
0x28: {  	s2 =	sld [smem:$0x3FA6]  }
0x29: {  	s4 =	sld [smem:$0x3FA8]  }
0x2a: {  	p0 =	seq.s32 s5, $0x0;
	s5 =	sld [smem:$0x3FA9]  }
0x2b: {  	s6 =	sld [smem:$0x3FAA]  }
0x2c: {  	s7 =	sld [smem:$0x3FAB]  }
0x2d: {  	s3 =	simm.s32 $0x108;
	s8 =	sld [smem:$0x3FAC]  }
0x2e: {  	s3 =	simm.s32 @!p0 $0x1082;
	s9 =	sld [smem:$0x3FAD]  }
0x2f: {  	lr =	sadd.s32 s0, s3;
	s0 =	sld [smem:$0x3FA4]  }
0x30: {  	s3 =	sld [smem:$0x3FA7]  }
0x31: {  	[smem:$0x3FB0] =	sst s10  }
0x32: {  	s10 =	sld [smem:$0x3FAE];
	_ =	sdelay $0x3  }
0x33: {  	p0 =	seq.s32 s10, $0x1;
	s10 =	sld [smem:$0x3FB0];
	_ =	sdelay $0x3  }
0x34: {  	[smem:$0x3FB0] =	sst s10  }
0x35: {  	s10 =	sld [smem:$0x3FAF];
	_ =	sdelay $0x3  }
0x36: {  	p1 =	seq.s32 s10, $0x1;
	s10 =	sld [smem:$0x3FB0];
	_ =	sdelay $0x3  }
0x37: {  	[smem:$0x3FB0] =	sst s10  }
0x38: {  	s10 =	sld [smem:$0x3FB1]  }
0x39: {  	_ = 	snop;
	(pc) =	sbr.ind lr, $3  }
0x3a: {  	_ = 	snop  }
0x3b: {  	_ = 	snop  }
0x3c: {  	p2 =	seq.s32 s10, $0x1;
	s10 =	sld [smem:$0x3FB0]  }
0x3d: {  	_ =	shalt  }
0x3e: {  	_ =	shalt  }
0x3f: {  	_ =	shalt  }
0x40: {  	_ =	shalt  }
0x41: {  	_ =	shalt  }
0x42: {  	_ =	shalt  }
0x43: {  	_ =	shalt  }
0x44: {  	_ =	shalt  }
0x45: {  	_ =	shalt  }
0x46: {  	_ =	shalt  }
0x47: {  	_ =	shalt  }
0x48: {  	_ =	shalt  }
0x49: {  	_ =	shalt  }
0x4a: {  	_ =	shalt  }
0x4b: {  	_ =	shalt  }
0x4c: {  	_ =	shalt  }
0x4d: {  	_ =	shalt  }
0x4e: {  	_ =	shalt  }
0x4f: {  	_ =	shalt  }
0x50: {  	_ =	shalt  }
0x51: {  	_ =	shalt  }
0x52: {  	_ =	shalt  }
0x53: {  	_ =	shalt  }
0x54: {  	_ =	shalt  }
0x55: {  	_ =	shalt  }
0x56: {  	_ =	shalt  }
0x57: {  	_ =	shalt  }
0x58: {  	_ =	shalt  }
0x59: {  	_ =	shalt  }
0x5a: {  	_ =	shalt  }
0x5b: {  	_ =	shalt  }
0x5c: {  	_ =	shalt  }
0x5d: {  	_ =	shalt  }
0x5e: {  	_ =	shalt  }
0x5f: {  	_ =	shalt  }
0x60: {  	_ =	shalt  }
0x61: {  	_ =	shalt  }
0x62: {  	_ =	shalt  }
0x63: {  	_ =	shalt  }
0x64: {  	_ =	shalt  }
0x65: {  	_ =	shalt  }
0x66: {  	_ =	shalt  }
0x67: {  	_ =	shalt  }
0x68: {  	_ =	shalt  }
0x69: {  	_ =	shalt  }
0x6a: {  	_ =	shalt  }
0x6b: {  	_ =	shalt  }
0x6c: {  	_ =	shalt  }
0x6d: {  	_ =	shalt  }
0x6e: {  	_ =	shalt  }
0x6f: {  	_ =	shalt  }
0x70: {  	_ =	shalt  }
0x71: {  	_ =	shalt  }
0x72: {  	_ =	shalt  }
0x73: {  	_ =	shalt  }
0x74: {  	_ =	shalt  }
0x75: {  	_ =	shalt  }
0x76: {  	_ =	shalt  }
0x77: {  	_ =	shalt  }
0x78: {  	_ =	shalt  }
0x79: {  	_ =	shalt  }
0x7a: {  	_ =	shalt  }
0x7b: {  	_ =	shalt  }
0x7c: {  	_ =	shalt  }
0x7d: {  	_ =	shalt  }
0x7e: {  	_ =	shalt  }
0x7f: {  	_ =	shalt  }
0x80: {  	_ =	shalt  }
0x81: {  	_ =	shalt  }
0x82: {  	_ =	shalt  }
0x83: {  	_ =	shalt  }
0x84: {  	_ =	shalt  }
0x85: {  	_ =	shalt  }
0x86: {  	_ =	shalt  }
0x87: {  	_ =	shalt  }
.Lfunc_end0:
.L_simem_size_0:
called_computation_lowered:
.L_overlay_start_0:
0x88: {  	s2 =	sld [smem:$0x3FD9]  }
0x89: {  	s3 =	sld [smem:$0x3FFE];
	_ =	sdelay $0x1  }
0x8a: {  	s1 =	srdreg.scid  }
0x8b: {  	s0 =	sand.u32 $0x1, s1  }
0x8c: {  	s17 =	sshll.u32 s0, $0xA;
	s2 =	sadd.s32 s3, s2  }
0x8d: {  	s2 =	sadd.s32 s2, s17  }
0x8e: {  	[smem:$0x3FBC] =	sst s2  }
0x8f: {  	_ = 	snop  }
0x90: {  	s2 =	sld [smem:$0x3FD0];
	(tm) =	ssettm $0x1  }
0x91: {  	s18 =	sld [smem:$0x3FFB];
	_ =	sdelay $0x3  }
0x92: {  	_ =	strace s18  }
0x93: {  	s3 =	sld [smem:$0x3FFC];
	_ =	sdelay $0x3  }
0x94: {  	_ =	strace s3  }
0x95: {  	s3 =	sld [smem:$0x3FFD];
	_ =	sdelay $0x3  }
0x96: {  	_ =	strace s3  }
0x97: {  	_ =	strace $0x8FFFFFFF  }
0x98: {  	s19 =	sld [smem:$0x3FDB];
	_ =	sdelay $0x1  }
0x99: {  	s4 =	simm.s32 $_scs_section_size  }
0x9a: {  	s5 =	simm.s32 $_size__tile_overlayer_lowered;
	s6 =	simm.s32 $_tile_overlayer_lowered  }
0x9b: {  	s22 =	simm.s32 $0x1BFF;
	s21 =	sshll.u32 s6, $0x1;
	s3 =	sadd.s32 s4, s19  }
0x9c: {  	s7 =	simm.s32 $0x0;
	s20 =	sshll.u32 s5, $0x1;
	s5 =	sadd.s32 s21, s3  }
0x9d: {  	[timem:s7], [sflag:s22] =	dma.local [hbm:s5], s20  }
0x9e: {  	_ =	swait.ge [sflag:s22], s20  }
0x9f: {  	s4 =	ssub.s32 $0x0, s20;
	[sflag:s22] =	ssyncset.done $0x0  }
0xa0: {  	[sflag:s22] =	ssyncadd.s32 s4;
	_ =	sdelay $0x1  }
0xa1: {  	s23 =	simm.s32 $0x1B8B  }
0xa2: {  	_ =	swait.ge [sflag:s23], $0x1  }
0xa3: {  	[sflag:s23] =	ssyncset.done $0x0  }
0xa4: {  	s25 =	simm.s32 $0x1B8E;
	s24 =	sld [smem:$0x3FFE];
	[sflag:s23] =	ssyncadd.s32 $0xFFFFFFFF  }
0xa5: {  	s26 =	simm.s32 $execute0_lowered;
	[smem:$0x3FD2] =	sst s25  }
0xa6: {  	s5 =	sshll.u32 s26, $0x1;
	_ =	strace $0x80000046;
	[dreg:$0x1] =	wrdreg $0xFFFFFFFF  }
0xa7: {  	s28 =	simm.s32 $_size_execute0_lowered;
	s3 =	sadd.s32 s3, s5;
	[dreg:$0x0] =	wrdreg $0x0  }
0xa8: {  	s5 =	sshll.u32 s28, $0x1;
	[dreg:$0x2] =	wrdreg s3  }
0xa9: {  	[dreg:$0x3] =	wrdreg s5  }
0xaa: {  	[dreg:$0x4] =	wrdreg $0xC0  }
0xab: {  	_ =	task [dreg:s7], $0x5FFFF  }
0xac: {  	[dreg:$0x1] =	wrdreg $0xFFFFFFFF  }
0xad: {  	[dreg:$0x0] =	wrdreg $0x60  }
0xae: {  	[dreg:$0x2] =	wrdreg s24  }
0xaf: {  	[dreg:$0x3] =	wrdreg s2  }
0xb0: {  	[dreg:$0x4] =	wrdreg $0x9  }
0xb1: {  	_ =	task.clear_ibuf [dreg:s7], $0x5FFFF;
	_ =	strace $0x90000046  }
0xb2: {  	s29 =	simm.s32 $0x9;
	_ =	strace $0x80000048  }
0xb3: {  	_ =	swait.ge [sflag:s29], $0x1  }
0xb4: {  	[sflag:s29] =	ssyncadd.s32 $0xFFFFFFFF  }
0xb5: {  	_ =	strace $0x90000048  }
0xb6: {  	_ =	sfence  }
0xb7: {  	s30 =	sld [smem:$0x0];
	_ =	sdelay $0x2  }
0xb8: {  	s31 =	sshll.u32 s1, $0xD;
	s1 =	sshrl.u32 s1, $0x2  }
0xb9: {  	s3 =	sand.u32 $0x4000, s31;
	s1 =	sadd.s32 s1, s30  }
0xba: {  	s0 =	sor.u32 s3, s0;
	s1 =	sshll.u32 s1, $0x11  }
0xbb: {  	s0 =	sor.u32 s1, s0  }
0xbc: {  	s0 =	sadd.s32 $0x8F2B, s0  }
0xbd: {  	[sflag:s0] =	ssyncadd.remote.s32 $0x1  }
0xbe: {  	_ =	sfence.sel $0xFFFF  }
0xbf: {  	[dreg:$0x0] =	wrdreg $0xFFFFFFFF;
	(pc) =	sbr.abs _section_cstart, $3  }
0xc0: {  	[dreg:$0x1] =	wrdreg $0xFFFFFFFF  }
0xc1: {  	_ =	task.clear_ibuf [dreg:s7], $0x2FFFF;
	_ =	strace $0x9FFFFFFF  }
0xc2: {  	(tm) =	ssettm $0x7FFFFFFF  }
0xc3: {  	_ =	shalt  }
tec
execute0_lowered:
.L_overlay_start_1:
0x0: {  	(tag) =	ssettag $0x1  }
0x1: {  	s1 =	srdreg.scid  }
0x2: {  	s0 =	stileid.u32;
	s9 =	rddreg [dreg:$0x0]  }
0x3: {  	s3 =	rddreg [dreg:$0x1];
	s6 =	sand.u32 $0x1, s1;
	s30 =	sshll.u32 s0, $0x1  }
0x4: {  	s2 =	simm.s32 $0x0;
	s1 =	rddreg [dreg:$0x2];
	s7 =	sor.u32 s6, s30  }
0x5: {  	s8 =	simm.s32 $0x1;
	[smem:$0x7FF] =	sst s2;
	s4 =	smul.u32 $0xD, s7  }
0x6: {  	s5 =	sadd.s32 $0x82800, s9;
	_ =	strace $0x80000047;
	s11 =	ssub.s32 $0x2, s6  }
0x7: {  	s6 =	simm.s32 $0x68;
	s4 =	sadd.s32 s3, s4;
	s3 =	simm.s32 $0x2  }
0x8: {  	[tilespmem:s2], [sflag:$0x2] =	stream.linear.gather [hbm4b:s4+s2], $0x68, $0x38;
	[tilespmem:$0x3480] =	vst v63  }
0x9: {  	s10 =	smul.u32 $0x680, s7;
	s12 =	sshrl.u32 s11, $0x1;
	_ =	swait.ge [sflag:s3], $0x68  }
0xa: {  	s7 =	simm.s32 $0x80;
	s31 =	ssub.s32 s11, s12;
	[sflag:s3] =	ssyncset.done $0x0  }
0xb: {  	s9 =	sadd.s32 s10, s9;
	s10 =	smax.u32 s31, $0x1;
	[sflag:s3] =	ssyncadd.s32 $0xFFFFFF98  }
0xc: {  	[tilespmem:s7], [sflag:$0x1] =	stream.indirect.gather [hbm4b:s5+s6], $0x80, s2, s6, $0xb8;
	[tilespmem:$0x3480] =	vst v63  }
0xd: {  	p0 =	sne.s32 s10, $0x1;
	_ =	swait.ge [sflag:s8], $0x3400  }
.Ltmp0:
0xe: {  	[sflag:s8] =	ssyncset.done $0x0;
	(pc) =	sbr.rel @!p0 .LBB2_2-.Ltmp0, $4  }
0xf: {  	s9 =	sadd.s32 $0xA2800, s9;
	[sflag:s8] =	ssyncadd.s32 $0xFFFFCC00  }
0x10: {  	[hbm4b:s9+s2] =	stream.linear.scatter [tilespmem:s7], [sflag:$0x2], $0x3400, $0x38;
	[tilespmem:$0x3480] =	vst v63  }
0x11: {  	_ =	swait.ge [sflag:s3], $0x3400  }
0x12: {  	s10 =	sadd.s32 $0xFFFFFFFF, s10;
	[sflag:s3] =	ssyncset.done $0x0  }
.LBB2_1:
0x13: {  	p0 =	sne.s32 s10, $0x1;
	s10 =	sadd.s32 $0xFFFFFFFF, s10;
	[sflag:s3] =	ssyncadd.s32 $0xFFFFCC00  }
0x14: {  	[tilespmem:s2], [sflag:$0x2] =	stream.linear.gather [hbm4b:s4+s2], $0x68, $0x38;
	[tilespmem:$0x3480] =	vst v63  }
0x15: {  	_ =	swait.ge [sflag:s3], $0x68  }
0x16: {  	[sflag:s3] =	ssyncset.done $0x0  }
0x17: {  	[sflag:s3] =	ssyncadd.s32 $0xFFFFFF98  }
0x18: {  	[tilespmem:s7], [sflag:$0x1] =	stream.indirect.gather [hbm4b:s5+s6], $0x80, s2, s6, $0xb8;
	[tilespmem:$0x3480] =	vst v63  }
0x19: {  	_ =	swait.ge [sflag:s8], $0x3400  }
.Ltmp1:
0x1a: {  	[sflag:s8] =	ssyncset.done $0x0;
	(pc) =	sbr.rel @p0 .LBB2_1-.Ltmp1, $4  }
0x1b: {  	[sflag:s8] =	ssyncadd.s32 $0xFFFFCC00  }
0x1c: {  	[hbm4b:s9+s2] =	stream.linear.scatter [tilespmem:s7], [sflag:$0x2], $0x3400, $0x38;
	[tilespmem:$0x3480] =	vst v63  }
0x1d: {  	_ =	swait.ge [sflag:s3], $0x3400  }
0x1e: {  	[sflag:s3] =	ssyncset.done $0x0  }
.LBB2_2:
0x1f: {  	[sflag:s3] =	ssyncadd.s32 $0xFFFFCC00  }
0x20: {  	_ =	sfence.sel $0x180000  }
0x21: {  	[bflag:$0x0] =	sbarrier.arrive $0xFFFF  }
0x22: {  	p0 =	sne.s32 s0, $0x0;
	_ =	strace $0x90000047  }
0x23: {  	s0 =	sadd.s32 @!p0 $0x100000, s1;
	[bflag:$0x2] =	sbarrier.arrive $0xFFFF  }
0x24: {  	[sflag:s0] =	ssyncadd.tile.s32 @!p0 $0x1;
	_ =	shalt  }
.Lfunc_end2:
_tile_overlayer_lowered:
.L_overlay_start_2:
0x25: {  	(tag) =	ssettag $0x2  }
0x26: {  	s0 =	rddreg [dreg:$0x0];
	s2 =	stileid.u32  }
0x27: {  	s1 =	rddreg [dreg:$0x1];
	p0 =	sne.s32 s2, $0x0  }
0x28: {  	s3 =	rddreg [dreg:$0x2];
	[bflag:$0x3] =	sbarrier.arrive $0xFFFF;
	s2 =	simm.s32 @!p0 $0x1C02  }
0x29: {  	[timem:s3], [sflag:s2] =	dma.local @!p0 [hbm:s0], s1  }
0x2a: {  	s0 =	simm.s32 @!p0 $0x2  }
0x2b: {  	_ =	swait.ge @!p0 [sflag:s0], s1  }
0x2c: {  	s1 =	ssub.s32 @!p0 $0x0, s1;
	[sflag:s0] =	ssyncset.done @!p0 $0x0  }
0x2d: {  	[sflag:s0] =	ssyncadd.s32 @!p0 s1  }
0x2e: {  	[bflag:$0x3] =	sbarrier.arrive $0xFFFF  }
0x2f: {  	_ =	shalt  }

</sc_bundles>
